<compile_context>
chip_gen: v7x
topology: tpu7x:2x2x1
jax: 0.10.2.dev20260603
libtpu: 0.0.44.dev20260713+nightly
codegen_flags: <defaults>
</compile_context>

<pallas_src>
import jax
import jax.numpy as jnp
from jax.experimental import pallas as pl
from jax.experimental.pallas import tpu as pltpu
from jax.experimental.pallas import tpu_sc as plsc

B, S, E, N1, N2 = 16, 256, 256, 8, 8
KV, QD = 100, 768
GW = 128
C1W = 256


def _prep_body(ient_ref, q0_ref, wq2_ref, bq2_ref, wk2_ref, wq1_ref,
               bq1_ref, wk1_ref, q2_ref, q1_ref, idx_ref):
    f32 = jnp.float32
    dn = (((1,), (1,)), ((), ()))
    q0 = q0_ref[...]
    qi2 = jnp.tanh(jax.lax.dot_general(q0, wq2_ref[...], dn) + bq2_ref[...])
    qk2 = jnp.dot(qi2, wk2_ref[...]) * 0.1
    qi1 = jnp.tanh(jax.lax.dot_general(q0, wq1_ref[...], dn) + bq1_ref[...])
    qk1 = jnp.dot(qi1, wk1_ref[...]) * 0.1
    qk2t = jnp.transpose(qk2)
    qk1t = jnp.transpose(qk1)
    for b in range(B):
        q2_ref[b] = qk2t[:, b:b + 1]
        q1_ref[b] = qk1t[:, b:b + 1]

    ie = ient_ref[...]
    mask = ie != 0
    mf = mask.astype(f32)
    t_iota = jax.lax.broadcasted_iota(jnp.int32, (S, S), 0)
    s_iota = jax.lax.broadcasted_iota(jnp.int32, (S, S), 1)
    ut = (t_iota <= s_iota).astype(f32)
    cum = jnp.dot(mf, ut)
    order = jnp.clip(cum - 1.0, 0.0, float(E - 1))
    bi = jax.lax.broadcasted_iota(jnp.int32, (B, S), 0).astype(f32)
    idxf = jnp.where(mask, order + bi * float(E), float(B * E))
    idx_ref[...] = idxf.astype(jnp.int32)


def _main_body(q2_ref, q1_ref, k2_ref, v2_ref, k1_ref, v1_ref, c1_ref):
    f32 = jnp.float32
    bidx = pl.program_id(0)

    @pl.when(bidx < B)
    def _compute():
        k2 = k2_ref[0]
        v2 = v2_ref[0]
        q2 = q2_ref[0][None, :, :, None]
        l2 = jnp.sum(k2 * q2, axis=1)
        e2 = jnp.exp(l2)
        attn2 = e2 / jnp.sum(e2, axis=1, keepdims=True)
        comb = jnp.sum(attn2[:, None, :, :] * v2, axis=2)

        k1 = k1_ref[0]
        v1 = v1_ref[0]
        q1 = q1_ref[0][:, :, None]
        l1 = jnp.sum(k1 * q1, axis=0)
        e1 = jnp.exp(l1)
        attn1 = e1 / jnp.sum(e1, axis=0, keepdims=True)
        o_a = jnp.sum(attn1[None, :, :] * v1, axis=1)
        o_b = jnp.sum(attn1[:, None, :] * comb, axis=0)
        c1 = jnp.concatenate([o_a, o_b], axis=0)
        c1t = jnp.transpose(c1)
        c1_ref[...] = jnp.pad(c1t, ((0, 0), (0, C1W - 2 * KV)))

    @pl.when(bidx == B)
    def _zeros():
        c1_ref[...] = jnp.zeros((E, C1W), f32)


def _sc_gather(c1r, idx):
    vmesh = plsc.VectorSubcoreMesh(core_axis_name="core",
                                   subcore_axis_name="subcore")

    @pl.kernel(out_type=jax.ShapeDtypeStruct((B * S, C1W), c1r.dtype),
               mesh=vmesh)
    def gather_kernel(c1_hbm, i_hbm, o_hbm):
        def body(i_vmem, o_vmem):
            pltpu.sync_copy(c1_hbm.at[i_vmem.at[0]], o_vmem)

        pltpu.emit_pipeline(
            body,
            grid=(B * S // GW,),
            in_specs=[pl.BlockSpec((1, GW), index_map=lambda i: (0, i))],
            out_specs=[pl.BlockSpec((GW, C1W), index_map=lambda i: (i, 0))],
            core_axis_name=("core", "subcore"),
            dimension_semantics=(pltpu.PARALLEL,),
        )(i_hbm, o_hbm)

    return gather_kernel(c1r, idx)


@jax.jit
def _run(input_ent, q, k_hop1, v_hop1, k_hop2, v_hop2, w_q2, b_q2, w_k2,
         w_q1, b_q1, w_k1):
    f32 = jnp.float32
    q0 = q[:, 0, :]
    ient = input_ent.astype(jnp.int32)
    qc2, qc1, idx = pl.pallas_call(
        _prep_body,
        out_shape=(jax.ShapeDtypeStruct((B, KV, 1), f32),
                   jax.ShapeDtypeStruct((B, KV, 1), f32),
                   jax.ShapeDtypeStruct((B, S), jnp.int32)),
    )(ient, q0, w_q2, b_q2.reshape(1, KV), w_k2, w_q1,
      b_q1.reshape(1, KV), w_k1)

    k2t = jnp.transpose(k_hop2, (0, 2, 4, 3, 1))
    v2t = jnp.transpose(v_hop2, (0, 2, 4, 3, 1))
    k1t = jnp.transpose(k_hop1, (0, 3, 2, 1))
    v1t = jnp.transpose(v_hop1, (0, 3, 2, 1))

    cb = lambda b: jnp.minimum(b, B - 1)
    c1r = pl.pallas_call(
        _main_body,
        grid=(B + 1,),
        in_specs=[
            pl.BlockSpec((1, KV, 1), lambda b: (cb(b), 0, 0)),
            pl.BlockSpec((1, KV, 1), lambda b: (cb(b), 0, 0)),
            pl.BlockSpec((1, N1, KV, N2, E), lambda b: (cb(b), 0, 0, 0, 0)),
            pl.BlockSpec((1, N1, KV, N2, E), lambda b: (cb(b), 0, 0, 0, 0)),
            pl.BlockSpec((1, KV, N1, E), lambda b: (cb(b), 0, 0, 0)),
            pl.BlockSpec((1, KV, N1, E), lambda b: (cb(b), 0, 0, 0)),
        ],
        out_specs=pl.BlockSpec((E, C1W), lambda b: (b, 0)),
        out_shape=jax.ShapeDtypeStruct(((B + 1) * E, C1W), f32),
        compiler_params=pltpu.CompilerParams(
            dimension_semantics=("arbitrary",),
        ),
    )(qc2, qc1, k2t, v2t, k1t, v1t)

    out_flat = _sc_gather(c1r, idx.reshape(1, B * S))
    return out_flat[:, :2 * KV].reshape(B, S, 2 * KV)


def kernel(input_ent, q, k_hop1, v_hop1, k_hop2, v_hop2, w_q2, b_q2, w_k2,
           w_q1, b_q1, w_k1):
    return _run(input_ent, q, k_hop1, v_hop1, k_hop2, v_hop2, w_q2, b_q2,
                w_k2, w_q1, b_q1, w_k1)

# --- scband reference (transcript-rebuilt; emitter-appended) ---
"""Pipeline reference for scband-coke-bert-model-35029753266371 (READ-ONLY COPY).

The authoritative reference and input builder live on the scoring server;
editing this copy changes nothing except your own understanding.
"""

import jax, jax.numpy as jnp
import numpy as np

B, S, E, N1, N2 = 16, 256, 256, 8, 8
KV, QD = 100, 768

def setup_inputs(seed: int = 0):
    key = jax.random.key(seed)
    ks = jax.random.split(key, 16)
    input_ent = jnp.arange(B * S).reshape(B, S)
    q = jax.random.normal(ks[0], (B, S, QD), dtype=jnp.float32)
    k_hop1 = jax.random.normal(ks[1], (B, E, N1, KV), dtype=jnp.float32)
    v_hop1 = jax.random.normal(ks[2], (B, E, N1, KV), dtype=jnp.float32)
    k_hop2 = jax.random.normal(ks[3], (B, E, N1, N2, KV), dtype=jnp.float32)
    v_hop2 = jax.random.normal(ks[4], (B, E, N1, N2, KV), dtype=jnp.float32)
    w_q2 = jax.random.normal(ks[5], (KV, QD), dtype=jnp.float32) * 0.02
    b_q2 = jnp.zeros((KV,), dtype=jnp.float32)
    w_k2 = jax.random.normal(ks[6], (KV, KV), dtype=jnp.float32) * 0.02
    w_q1 = jax.random.normal(ks[7], (KV, QD), dtype=jnp.float32) * 0.02
    b_q1 = jnp.zeros((KV,), dtype=jnp.float32)
    w_k1 = jax.random.normal(ks[8], (KV, KV), dtype=jnp.float32) * 0.02
    return {"input_ent": input_ent, "q": q, "k_hop1": k_hop1, "v_hop1": v_hop1, "k_hop2": k_hop2, "v_hop2": v_hop2, "w_q2": w_q2, "b_q2": b_q2, "w_k2": w_k2, "w_q1": w_q1, "b_q1": b_q1, "w_k1": w_k1}

def _dk_forward(input_ent, q, k_hop1, v_hop1, k_hop2, v_hop2, w_q2, b_q2, w_k2, w_q1, b_q1, w_k1):
    kv_dim = w_k2.shape[0]
    scale = jnp.sqrt(jnp.float32(kv_dim))
    # q[:, 0, :] -- CLS token text representation
    q0 = q[:, 0, :]
    # DK layer 0 (layer_no = 2): q_i unsqueezed 3x, attend over hop-2 neighbors
    q_i2 = jnp.tanh(q0 @ w_q2.T + b_q2)[:, None, None, None, :]
    k2 = k_hop2 @ w_k2.T
    attn2 = jax.nn.softmax(jnp.sum(q_i2 * k2, axis=-1) / scale, axis=-1)
    combined = jnp.sum(attn2[..., None] * v_hop2, axis=-2)  # [B, E, N1, KV]
    # DK layer 1 (layer_no = 1): v = cat([v, combined]), attend over hop-1 neighbors
    v1 = jnp.concatenate([v_hop1, combined], axis=-1)  # [B, E, N1, 2*KV]
    q_i1 = jnp.tanh(q0 @ w_q1.T + b_q1)[:, None, None, :]
    k1 = k_hop1 @ w_k1.T
    attn1 = jax.nn.softmax(jnp.sum(q_i1 * k1, axis=-1) / scale, axis=-1)
    combined1 = jnp.sum(attn1[..., None] * v1, axis=-2)  # [B, E, 2*KV]
    # scatter: write i-th entity rep of each batch into the i-th nonzero position of input_ent
    mask = input_ent != 0
    order = jnp.clip(jnp.cumsum(mask, axis=1) - 1, 0, combined1.shape[1] - 1)
    gathered = jnp.take_along_axis(combined1, order[:, :, None], axis=1)  # [B, S, 2*KV]
    hidden_states_ent = jnp.where(mask[:, :, None], gathered, jnp.zeros_like(gathered))
    return hidden_states_ent

def reference(input_ent, q, k_hop1, v_hop1, k_hop2, v_hop2, w_q2, b_q2, w_k2, w_q1, b_q1, w_k1):
    return _dk_forward(input_ent, q, k_hop1, v_hop1, k_hop2, v_hop2, w_q2, b_q2, w_k2, w_q1, b_q1, w_k1)

if __name__ == "__main__":
    import jax
    _d = setup_inputs()
    print(jax.jit(kernel)(*tuple(_d.values())))

</pallas_src>

<mosaic_0001>
#map = affine_map<(d0, d1) -> (0, 0)>
module attributes {stable_mosaic.version = 14 : i64} {
  func.func @gather_kernel(%arg0: i32, %arg1: i32, %arg2: memref<4352x256xf32, #tpu.memory_space<hbm>>, %arg3: memref<1x4096xi32, #tpu.memory_space<hbm>>, %arg4: memref<4096x256xf32, #tpu.memory_space<hbm>>) attributes {dimension_semantics = [#tpu.dimension_semantics<core_parallel>, #tpu.dimension_semantics<subcore_parallel>], iteration_bounds = array<i64: 2, 16>, scalar_prefetch = 0 : i64, scratch_operands = 0 : i64, tpu.core_type = #tpu.core_type<sc_vector_subcore>, window_params = [{transform_indices = #map}, {transform_indices = #map}, {transform_indices = #map}]} {
    %mul3A = arith.constant 1 : i32
    %mul3A_0 = arith.muli %arg1, %mul3A : i32
    %add3A = arith.constant 0 : i32
    %add3A_1 = arith.addi %add3A, %mul3A_0 : i32
    %mul3A_2 = arith.constant 16 : i32
    %mul3A_3 = arith.muli %arg0, %mul3A_2 : i32
    %add3A_4 = arith.addi %add3A_1, %mul3A_3 : i32
    %mul3A_5 = arith.constant 1 : i32
    %mul3A_6 = arith.muli %add3A_4, %mul3A_5 : i32
    "tpu.region"() ({
      %run_scoped3A = memref.alloca() : memref<2x1x128xi32, #tpu.memory_space<vmem>>
      %run_scoped3A_7 = tpu.sem_alloc : memref<2x!tpu.dma_semaphore, #tpu.memory_space<semaphore_mem>>
      %run_scoped3A_8 = memref.alloca() : memref<2x128x256xf32, #tpu.memory_space<vmem>>
      %run_scoped3A_9 = tpu.sem_alloc : memref<2x!tpu.dma_semaphore, #tpu.memory_space<semaphore_mem>>
      %add3A_10 = arith.constant 0 : i32
      %add3A_11 = arith.addi %add3A_10, %mul3A_6 : i32
      %select_n3A = arith.constant true
      %select_n3A_12 = arith.constant 0 : i32
      %select_n3A_13 = arith.constant -1 : i32
      %select_n3A_14 = arith.select %select_n3A, %select_n3A_13, %select_n3A_12 : i32
      %eq3A = arith.constant -1 : i32
      %eq3A_15 = arith.cmpi eq, %select_n3A_14, %eq3A : i32
      %select_n3A_16 = arith.constant 0 : i32
      %select_n3A_17 = arith.select %eq3A_15, %select_n3A_16, %select_n3A_14 : i32
      %add3A_18 = arith.constant 0 : i32
      %add3A_19 = arith.addi %add3A_18, %mul3A_6 : i32
      %select_n3A_20 = arith.constant true
      %select_n3A_21 = arith.constant 0 : i32
      %select_n3A_22 = arith.constant 1 : i32
      %select_n3A_23 = arith.select %select_n3A_20, %select_n3A_22, %select_n3A_21 : i32
      %eq3A_24 = arith.constant 1 : i32
      %eq3A_25 = arith.cmpi eq, %select_n3A_23, %eq3A_24 : i32
      %select_n3A_26 = arith.constant 0 : i32
      %select_n3A_27 = arith.select %eq3A_25, %select_n3A_26, %select_n3A_23 : i32
      %add3A_28 = arith.constant 0 : i32
      %add3A_29 = arith.addi %add3A_28, %mul3A_6 : i32
      %select_n3A_30 = arith.constant true
      %select_n3A_31 = arith.constant 0 : i32
      %select_n3A_32 = arith.constant 1 : i32
      %select_n3A_33 = arith.select %select_n3A_30, %select_n3A_32, %select_n3A_31 : i32
      %eq3A_34 = arith.constant 1 : i32
      %eq3A_35 = arith.cmpi eq, %select_n3A_33, %eq3A_34 : i32
      %select_n3A_36 = arith.constant 0 : i32
      %select_n3A_37 = arith.select %eq3A_35, %select_n3A_36, %select_n3A_33 : i32
      %add3A_38 = arith.constant 0 : i32
      %add3A_39 = arith.addi %add3A_38, %mul3A_6 : i32
      "tpu.trace_start"() <{level = 10 : i32, message = "ep_initialize_0"}> : () -> ()
      %rem3A = arith.constant 0 : i32
      %rem3A_40 = arith.constant 2 : i32
      %rem3A_41 = arith.remui %rem3A, %rem3A_40 : i32
      %mul3A_42 = arith.constant 128 : i32
      %mul3A_43 = arith.muli %mul3A_42, %add3A_11 : i32
      %dma_start3A = arith.constant 0 : i32
      %dma_start3A_44 = arith.constant 0 : i32
      %dma_start3A_45 = tpu.memref_slice %run_scoped3A[%rem3A_41, %dma_start3A, %dma_start3A_44] : memref<2x1x128xi32, #tpu.memory_space<vmem>> -> memref<1x1x128xi32, #tpu.memory_space<vmem>>
      %dma_start3A_46 = tpu.memref_squeeze %dma_start3A_45 : memref<1x1x128xi32, #tpu.memory_space<vmem>> -> memref<1x128xi32, #tpu.memory_space<vmem>>
      %dma_start3A_47 = arith.constant 0 : i32
      %dma_start3A_48 = tpu.memref_slice %arg3[%dma_start3A_47, %mul3A_43] : memref<1x4096xi32, #tpu.memory_space<hbm>> -> memref<1x128xi32, #tpu.memory_space<hbm>>
      %dma_start3A_49 = tpu.memref_slice %run_scoped3A_7[%rem3A_41] : memref<2x!tpu.dma_semaphore, #tpu.memory_space<semaphore_mem>> -> memref<1x!tpu.dma_semaphore, #tpu.memory_space<semaphore_mem>>
      %dma_start3A_50 = tpu.memref_squeeze %dma_start3A_49 : memref<1x!tpu.dma_semaphore, #tpu.memory_space<semaphore_mem>> -> memref<!tpu.dma_semaphore, #tpu.memory_space<semaphore_mem>>
      %dma_start3A_51 = arith.constant 0 : i32
      %dma_start3A_52 = arith.constant 0 : i32
      %dma_start3A_53 = tpu.memref_slice %run_scoped3A[%rem3A_41, %dma_start3A_51, %dma_start3A_52] : memref<2x1x128xi32, #tpu.memory_space<vmem>> -> memref<1x1x128xi32, #tpu.memory_space<vmem>>
      %dma_start3A_54 = tpu.memref_squeeze %dma_start3A_53 : memref<1x1x128xi32, #tpu.memory_space<vmem>> -> memref<1x128xi32, #tpu.memory_space<vmem>>
      %dma_start3A_55 = arith.constant 0 : i32
      %dma_start3A_56 = tpu.memref_slice %arg3[%dma_start3A_55, %mul3A_43] : memref<1x4096xi32, #tpu.memory_space<hbm>> -> memref<1x128xi32, #tpu.memory_space<hbm>>
      tpu.enqueue_dma source(%dma_start3A_56 : memref<1x128xi32, #tpu.memory_space<hbm>>) target(%dma_start3A_54 : memref<1x128xi32, #tpu.memory_space<vmem>>) target_semaphore(%dma_start3A_50 : memref<!tpu.dma_semaphore, #tpu.memory_space<semaphore_mem>>)
      %add3A_57 = arith.constant 0 : i32
      %add3A_58 = arith.constant 1 : i32
      %add3A_59 = arith.addi %add3A_57, %add3A_58 : i32
      %select_n3A_60 = arith.constant true
      %select_n3A_61 = arith.constant 0 : i32
      %select_n3A_62 = arith.select %select_n3A_60, %add3A_59, %select_n3A_61 : i32
      "tpu.trace_stop"() : () -> ()
      %scan3A = arith.constant 0 : i32
      %scan3A_63 = arith.constant 0 : i32
      %scan3A_64 = arith.constant 0 : i32
      %scan3A_65 = arith.constant 0 : i32
      %scan3A_66 = arith.constant 0 : i32
      %eq3A_67 = arith.constant 0 : i32
      %eq3A_68 = arith.cmpi eq, %scan3A_66, %eq3A_67 : i32
      %eq3A_69 = arith.constant 0 : i32
      %eq3A_70 = arith.cmpi eq, %scan3A_66, %eq3A_69 : i32
      %add3A_71 = arith.constant 0 : i32
      %add3A_72 = arith.addi %add3A_71, %mul3A_6 : i32
      %select_n3A_73 = arith.constant true
      %select_n3A_74 = arith.constant 0 : i32
      %select_n3A_75 = arith.constant -1 : i32
      %select_n3A_76 = arith.select %select_n3A_73, %select_n3A_75, %select_n3A_74 : i32
      %eq3A_77 = arith.constant -1 : i32
      %eq3A_78 = arith.cmpi eq, %select_n3A_76, %eq3A_77 : i32
      %select_n3A_79 = arith.constant 0 : i32
      %select_n3A_80 = arith.select %eq3A_78, %select_n3A_79, %select_n3A_76 : i32
      %add3A_81 = arith.constant 0 : i32
      %add3A_82 = arith.addi %add3A_81, %mul3A_6 : i32
      %select_n3A_83 = arith.constant true
      %select_n3A_84 = arith.constant 0 : i32
      %select_n3A_85 = arith.constant 1 : i32
      %select_n3A_86 = arith.select %select_n3A_83, %select_n3A_85, %select_n3A_84 : i32
      %eq3A_87 = arith.constant 1 : i32
      %eq3A_88 = arith.cmpi eq, %select_n3A_86, %eq3A_87 : i32
      %select_n3A_89 = arith.constant 0 : i32
      %select_n3A_90 = arith.select %eq3A_88, %select_n3A_89, %select_n3A_86 : i32
      %add3A_91 = arith.constant 0 : i32
      %add3A_92 = arith.addi %add3A_91, %mul3A_6 : i32
      %select_n3A_93 = arith.constant true
      %select_n3A_94 = arith.constant 0 : i32
      %select_n3A_95 = arith.constant 1 : i32
      %select_n3A_96 = arith.select %select_n3A_93, %select_n3A_95, %select_n3A_94 : i32
      %eq3A_97 = arith.constant 1 : i32
      %eq3A_98 = arith.cmpi eq, %select_n3A_96, %eq3A_97 : i32
      %select_n3A_99 = arith.constant 0 : i32
      %select_n3A_100 = arith.select %eq3A_98, %select_n3A_99, %select_n3A_96 : i32
      %add3A_101 = arith.constant 0 : i32
      %add3A_102 = arith.addi %add3A_101, %mul3A_6 : i32
      %ne3A = arith.cmpi ne, %add3A_72, %add3A_92 : i32
      %or3A = arith.constant false
      %or3A_103 = arith.ori %or3A, %ne3A : i1
      %ge3A = arith.constant 0 : i32
      %ge3A_104 = arith.cmpi sge, %scan3A_66, %ge3A : i32
      %not3A = arith.constant true
      %not3A_105 = arith.xori %ge3A_104, %not3A : i1
      %and3A = arith.andi %or3A_103, %not3A_105 : i1
      %convert_element_type3A = arith.extui %and3A : i1 to i32
      %cond3A = arith.constant 0 : i32
      %cond3A_106 = arith.cmpi ne, %convert_element_type3A, %cond3A : i32
      scf.if %cond3A_106 {
        "tpu.trace_start"() <{level = 10 : i32, message = "ep_copy_in"}> : () -> ()
        %rem3A_266 = arith.constant 2 : i32
        %rem3A_267 = arith.remui %select_n3A_62, %rem3A_266 : i32
        %mul3A_268 = arith.constant 128 : i32
        %mul3A_269 = arith.muli %mul3A_268, %add3A_92 : i32
        %dma_start3A_270 = arith.constant 0 : i32
        %dma_start3A_271 = arith.constant 0 : i32
        %dma_start3A_272 = tpu.memref_slice %run_scoped3A[%rem3A_267, %dma_start3A_270, %dma_start3A_271] : memref<2x1x128xi32, #tpu.memory_space<vmem>> -> memref<1x1x128xi32, #tpu.memory_space<vmem>>
        %dma_start3A_273 = tpu.memref_squeeze %dma_start3A_272 : memref<1x1x128xi32, #tpu.memory_space<vmem>> -> memref<1x128xi32, #tpu.memory_space<vmem>>
        %dma_start3A_274 = arith.constant 0 : i32
        %dma_start3A_275 = tpu.memref_slice %arg3[%dma_start3A_274, %mul3A_269] : memref<1x4096xi32, #tpu.memory_space<hbm>> -> memref<1x128xi32, #tpu.memory_space<hbm>>
        %dma_start3A_276 = tpu.memref_slice %run_scoped3A_7[%rem3A_267] : memref<2x!tpu.dma_semaphore, #tpu.memory_space<semaphore_mem>> -> memref<1x!tpu.dma_semaphore, #tpu.memory_space<semaphore_mem>>
        %dma_start3A_277 = tpu.memref_squeeze %dma_start3A_276 : memref<1x!tpu.dma_semaphore, #tpu.memory_space<semaphore_mem>> -> memref<!tpu.dma_semaphore, #tpu.memory_space<semaphore_mem>>
        %dma_start3A_278 = arith.constant 0 : i32
        %dma_start3A_279 = arith.constant 0 : i32
        %dma_start3A_280 = tpu.memref_slice %run_scoped3A[%rem3A_267, %dma_start3A_278, %dma_start3A_279] : memref<2x1x128xi32, #tpu.memory_space<vmem>> -> memref<1x1x128xi32, #tpu.memory_space<vmem>>
        %dma_start3A_281 = tpu.memref_squeeze %dma_start3A_280 : memref<1x1x128xi32, #tpu.memory_space<vmem>> -> memref<1x128xi32, #tpu.memory_space<vmem>>
        %dma_start3A_282 = arith.constant 0 : i32
        %dma_start3A_283 = tpu.memref_slice %arg3[%dma_start3A_282, %mul3A_269] : memref<1x4096xi32, #tpu.memory_space<hbm>> -> memref<1x128xi32, #tpu.memory_space<hbm>>
        tpu.enqueue_dma source(%dma_start3A_283 : memref<1x128xi32, #tpu.memory_space<hbm>>) target(%dma_start3A_281 : memref<1x128xi32, #tpu.memory_space<vmem>>) target_semaphore(%dma_start3A_277 : memref<!tpu.dma_semaphore, #tpu.memory_space<semaphore_mem>>)
        "tpu.trace_stop"() : () -> ()
      } else {
      }
      %and3A_107 = arith.constant true
      %and3A_108 = arith.andi %and3A, %and3A_107 : i1
      %add3A_109 = arith.constant 1 : i32
      %add3A_110 = arith.addi %select_n3A_62, %add3A_109 : i32
      %select_n3A_111 = arith.select %and3A_108, %add3A_110, %select_n3A_62 : i32
      %ne3A_112 = arith.cmpi ne, %add3A_72, %add3A_92 : i32
      %or3A_113 = arith.constant false
      %or3A_114 = arith.ori %or3A_113, %ne3A_112 : i1
      %or3A_115 = arith.constant false
      %or3A_116 = arith.ori %or3A_114, %or3A_115 : i1
      %ge3A_117 = arith.constant 0 : i32
      %ge3A_118 = arith.cmpi sge, %scan3A_66, %ge3A_117 : i32
      %not3A_119 = arith.constant true
      %not3A_120 = arith.xori %ge3A_118, %not3A_119 : i1
      %and3A_121 = arith.andi %or3A_116, %not3A_120 : i1
      %ne3A_122 = arith.cmpi ne, %add3A_72, %add3A_82 : i32
      %or3A_123 = arith.constant false
      %or3A_124 = arith.ori %or3A_123, %ne3A_122 : i1
      %or3A_125 = arith.ori %or3A_124, %eq3A_68 : i1
      %convert_element_type3A_126 = arith.extui %or3A_125 : i1 to i32
      %cond3A_127 = arith.constant 0 : i32
      %cond3A_128 = arith.cmpi ne, %convert_element_type3A_126, %cond3A_127 : i32
      scf.if %cond3A_128 {
        "tpu.trace_start"() <{level = 10 : i32, message = "ep_wait_in"}> : () -> ()
        %mul3A_266 = arith.constant 128 : i32
        %mul3A_267 = arith.muli %mul3A_266, %add3A_72 : i32
        %rem3A_268 = arith.constant 2 : i32
        %rem3A_269 = arith.remui %scan3A, %rem3A_268 : i32
        %dma_wait3A_270 = arith.constant 0 : i32
        %dma_wait3A_271 = arith.constant 0 : i32
        %dma_wait3A_272 = tpu.memref_slice %run_scoped3A[%rem3A_269, %dma_wait3A_270, %dma_wait3A_271] : memref<2x1x128xi32, #tpu.memory_space<vmem>> -> memref<1x1x128xi32, #tpu.memory_space<vmem>>
        %dma_wait3A_273 = tpu.memref_squeeze %dma_wait3A_272 : memref<1x1x128xi32, #tpu.memory_space<vmem>> -> memref<1x128xi32, #tpu.memory_space<vmem>>
        %dma_wait3A_274 = arith.constant 0 : i32
        %dma_wait3A_275 = tpu.memref_slice %arg3[%dma_wait3A_274, %mul3A_267] : memref<1x4096xi32, #tpu.memory_space<hbm>> -> memref<1x128xi32, #tpu.memory_space<hbm>>
        %dma_wait3A_276 = tpu.memref_slice %run_scoped3A_7[%rem3A_269] : memref<2x!tpu.dma_semaphore, #tpu.memory_space<semaphore_mem>> -> memref<1x!tpu.dma_semaphore, #tpu.memory_space<semaphore_mem>>
        %dma_wait3A_277 = tpu.memref_squeeze %dma_wait3A_276 : memref<1x!tpu.dma_semaphore, #tpu.memory_space<semaphore_mem>> -> memref<!tpu.dma_semaphore, #tpu.memory_space<semaphore_mem>>
        %dma_wait3A_278 = arith.constant 0 : i32
        %dma_wait3A_279 = arith.constant 0 : i32
        %dma_wait3A_280 = tpu.memref_slice %run_scoped3A[%rem3A_269, %dma_wait3A_278, %dma_wait3A_279] : memref<2x1x128xi32, #tpu.memory_space<vmem>> -> memref<1x1x128xi32, #tpu.memory_space<vmem>>
        %dma_wait3A_281 = tpu.memref_squeeze %dma_wait3A_280 : memref<1x1x128xi32, #tpu.memory_space<vmem>> -> memref<1x128xi32, #tpu.memory_space<vmem>>
        %dma_wait3A_282 = arith.constant 0 : i32
        %dma_wait3A_283 = tpu.memref_slice %arg3[%dma_wait3A_282, %mul3A_267] : memref<1x4096xi32, #tpu.memory_space<hbm>> -> memref<1x128xi32, #tpu.memory_space<hbm>>
        tpu.wait_dma2 semaphore(%dma_wait3A_277 : memref<!tpu.dma_semaphore, #tpu.memory_space<semaphore_mem>>) src(%dma_wait3A_283 : memref<1x128xi32, #tpu.memory_space<hbm>>) dst(%dma_wait3A_281 : memref<1x128xi32, #tpu.memory_space<vmem>>)
        "tpu.trace_stop"() : () -> ()
      } else {
      }
      %ne3A_129 = arith.cmpi ne, %add3A_72, %add3A_82 : i32
      %or3A_130 = arith.constant false
      %or3A_131 = arith.ori %or3A_130, %ne3A_129 : i1
      %or3A_132 = arith.constant false
      %or3A_133 = arith.ori %or3A_131, %or3A_132 : i1
      %or3A_134 = arith.ori %or3A_133, %eq3A_68 : i1
      %convert_element_type3A_135 = arith.extui %or3A_134 : i1 to i32
      %cond3A_136 = arith.constant 0 : i32
      %cond3A_137 = arith.cmpi ne, %convert_element_type3A_135, %cond3A_136 : i32
      scf.if %cond3A_137 {
      } else {
      }
      %rem3A_138 = arith.constant 2 : i32
      %rem3A_139 = arith.remui %scan3A, %rem3A_138 : i32
      %rem3A_140 = arith.constant 2 : i32
      %rem3A_141 = arith.remui %scan3A_63, %rem3A_140 : i32
      %run_scoped3A_142 = arith.constant 0 : i32
      "tpu.trace_start"() <{level = 10 : i32, message = "ep_run_kernel"}> : () -> ()
      "tpu.region"() ({
        %run_scoped3A_266 = tpu.sem_alloc : memref<!tpu.dma_semaphore, #tpu.memory_space<semaphore_mem>>
        %dma_start3A_267 = arith.constant 0 : i32
        %dma_start3A_268 = arith.constant 0 : i32
        %dma_start3A_269 = tpu.memref_slice %run_scoped3A_8[%rem3A_141, %dma_start3A_267, %dma_start3A_268] : memref<2x128x256xf32, #tpu.memory_space<vmem>> -> memref<1x128x256xf32, #tpu.memory_space<vmem>>
        %dma_start3A_270 = tpu.memref_squeeze %dma_start3A_269 : memref<1x128x256xf32, #tpu.memory_space<vmem>> -> memref<128x256xf32, #tpu.memory_space<vmem>>
        %dma_start3A_271 = arith.constant 0 : i32
        %dma_start3A_272 = arith.constant 0 : i32
        %dma_start3A_273 = tpu.memref_slice %run_scoped3A[%rem3A_139, %dma_start3A_271, %dma_start3A_272] : memref<2x1x128xi32, #tpu.memory_space<vmem>> -> memref<1x1x128xi32, #tpu.memory_space<vmem>>
        %dma_start3A_274 = tpu.memref_squeeze %dma_start3A_273 : memref<1x1x128xi32, #tpu.memory_space<vmem>> -> memref<1x128xi32, #tpu.memory_space<vmem>>
        %dma_start3A_275 = arith.constant 0 : i32
        %dma_start3A_276 = tpu.memref_slice %dma_start3A_274[%run_scoped3A_142, %dma_start3A_275] : memref<1x128xi32, #tpu.memory_space<vmem>> -> memref<1x128xi32, #tpu.memory_space<vmem>>
        %dma_start3A_277 = tpu.memref_squeeze %dma_start3A_276 : memref<1x128xi32, #tpu.memory_space<vmem>> -> memref<128xi32, #tpu.memory_space<vmem>>
        %dma_start3A_278 = arith.constant 0 : i32
        %dma_start3A_279 = arith.constant 0 : i32
        %dma_start3A_280 = tpu.memref_slice %arg2[%dma_start3A_278, %dma_start3A_279] : memref<4352x256xf32, #tpu.memory_space<hbm>> -> memref<4352x256xf32, #tpu.memory_space<hbm>>
        tpu.enqueue_indirect_dma source(%dma_start3A_280 : memref<4352x256xf32, #tpu.memory_space<hbm>>) target(%dma_start3A_270 : memref<128x256xf32, #tpu.memory_space<vmem>>) offsets(%dma_start3A_277 : memref<128xi32, #tpu.memory_space<vmem>>) semaphore(%run_scoped3A_266 : memref<!tpu.dma_semaphore, #tpu.memory_space<semaphore_mem>>)
        %dma_wait3A_281 = arith.constant 0 : i32
        %dma_wait3A_282 = arith.constant 0 : i32
        %dma_wait3A_283 = tpu.memref_slice %run_scoped3A_8[%rem3A_141, %dma_wait3A_281, %dma_wait3A_282] : memref<2x128x256xf32, #tpu.memory_space<vmem>> -> memref<1x128x256xf32, #tpu.memory_space<vmem>>
        %dma_wait3A_284 = tpu.memref_squeeze %dma_wait3A_283 : memref<1x128x256xf32, #tpu.memory_space<vmem>> -> memref<128x256xf32, #tpu.memory_space<vmem>>
        %dma_wait3A_285 = arith.constant 0 : i32
        %dma_wait3A_286 = arith.constant 0 : i32
        %dma_wait3A_287 = tpu.memref_slice %run_scoped3A[%rem3A_139, %dma_wait3A_285, %dma_wait3A_286] : memref<2x1x128xi32, #tpu.memory_space<vmem>> -> memref<1x1x128xi32, #tpu.memory_space<vmem>>
        %dma_wait3A_288 = tpu.memref_squeeze %dma_wait3A_287 : memref<1x1x128xi32, #tpu.memory_space<vmem>> -> memref<1x128xi32, #tpu.memory_space<vmem>>
        %dma_wait3A_289 = arith.constant 0 : i32
        %dma_wait3A_290 = tpu.memref_slice %dma_wait3A_288[%run_scoped3A_142, %dma_wait3A_289] : memref<1x128xi32, #tpu.memory_space<vmem>> -> memref<1x128xi32, #tpu.memory_space<vmem>>
        %dma_wait3A_291 = tpu.memref_squeeze %dma_wait3A_290 : memref<1x128xi32, #tpu.memory_space<vmem>> -> memref<128xi32, #tpu.memory_space<vmem>>
        %dma_wait3A_292 = arith.constant 0 : i32
        %dma_wait3A_293 = arith.constant 0 : i32
        %dma_wait3A_294 = tpu.memref_slice %arg2[%dma_wait3A_292, %dma_wait3A_293] : memref<4352x256xf32, #tpu.memory_space<hbm>> -> memref<4352x256xf32, #tpu.memory_space<hbm>>
        tpu.wait_indirect_dma semaphore(%run_scoped3A_266 : memref<!tpu.dma_semaphore, #tpu.memory_space<semaphore_mem>>) src(%dma_wait3A_294 : memref<4352x256xf32, #tpu.memory_space<hbm>>) dst(%dma_wait3A_284 : memref<128x256xf32, #tpu.memory_space<vmem>>)
        tpu.yield
      }) : () -> ()
      "tpu.trace_stop"() : () -> ()
      %ne3A_143 = arith.cmpi ne, %add3A_72, %add3A_92 : i32
      %or3A_144 = arith.constant false
      %or3A_145 = arith.ori %or3A_144, %ne3A_143 : i1
      %or3A_146 = arith.ori %or3A_145, %eq3A_70 : i1
      %convert_element_type3A_147 = arith.extui %or3A_146 : i1 to i32
      %cond3A_148 = arith.constant 0 : i32
      %cond3A_149 = arith.cmpi ne, %convert_element_type3A_147, %cond3A_148 : i32
      scf.if %cond3A_149 {
      } else {
      }
      %and3A_150 = arith.constant false
      %and3A_151 = arith.andi %or3A_146, %and3A_150 : i1
      %ne3A_152 = arith.cmpi ne, %add3A_72, %add3A_92 : i32
      %or3A_153 = arith.constant false
      %or3A_154 = arith.ori %or3A_153, %ne3A_152 : i1
      %or3A_155 = arith.constant false
      %or3A_156 = arith.ori %or3A_154, %or3A_155 : i1
      %or3A_157 = arith.ori %or3A_156, %eq3A_70 : i1
      %convert_element_type3A_158 = arith.extui %or3A_157 : i1 to i32
      %cond3A_159 = arith.constant 0 : i32
      %cond3A_160 = arith.cmpi ne, %convert_element_type3A_158, %cond3A_159 : i32
      scf.if %cond3A_160 {
        "tpu.trace_start"() <{level = 10 : i32, message = "ep_copy_out"}> : () -> ()
        %rem3A_266 = arith.constant 2 : i32
        %rem3A_267 = arith.remui %scan3A_63, %rem3A_266 : i32
        %mul3A_268 = arith.constant 128 : i32
        %mul3A_269 = arith.muli %mul3A_268, %add3A_72 : i32
        %dma_start3A_270 = arith.constant 0 : i32
        %dma_start3A_271 = arith.constant 0 : i32
        %dma_start3A_272 = tpu.memref_slice %run_scoped3A_8[%rem3A_267, %dma_start3A_270, %dma_start3A_271] : memref<2x128x256xf32, #tpu.memory_space<vmem>> -> memref<1x128x256xf32, #tpu.memory_space<vmem>>
        %dma_start3A_273 = tpu.memref_squeeze %dma_start3A_272 : memref<1x128x256xf32, #tpu.memory_space<vmem>> -> memref<128x256xf32, #tpu.memory_space<vmem>>
        %dma_start3A_274 = arith.constant 0 : i32
        %dma_start3A_275 = tpu.memref_slice %arg4[%mul3A_269, %dma_start3A_274] : memref<4096x256xf32, #tpu.memory_space<hbm>> -> memref<128x256xf32, #tpu.memory_space<hbm>>
        %dma_start3A_276 = tpu.memref_slice %run_scoped3A_9[%rem3A_267] : memref<2x!tpu.dma_semaphore, #tpu.memory_space<semaphore_mem>> -> memref<1x!tpu.dma_semaphore, #tpu.memory_space<semaphore_mem>>
        %dma_start3A_277 = tpu.memref_squeeze %dma_start3A_276 : memref<1x!tpu.dma_semaphore, #tpu.memory_space<semaphore_mem>> -> memref<!tpu.dma_semaphore, #tpu.memory_space<semaphore_mem>>
        %dma_start3A_278 = arith.constant 0 : i32
        %dma_start3A_279 = tpu.memref_slice %arg4[%mul3A_269, %dma_start3A_278] : memref<4096x256xf32, #tpu.memory_space<hbm>> -> memref<128x256xf32, #tpu.memory_space<hbm>>
        %dma_start3A_280 = arith.constant 0 : i32
        %dma_start3A_281 = arith.constant 0 : i32
        %dma_start3A_282 = tpu.memref_slice %run_scoped3A_8[%rem3A_267, %dma_start3A_280, %dma_start3A_281] : memref<2x128x256xf32, #tpu.memory_space<vmem>> -> memref<1x128x256xf32, #tpu.memory_space<vmem>>
        %dma_start3A_283 = tpu.memref_squeeze %dma_start3A_282 : memref<1x128x256xf32, #tpu.memory_space<vmem>> -> memref<128x256xf32, #tpu.memory_space<vmem>>
        tpu.enqueue_dma source(%dma_start3A_283 : memref<128x256xf32, #tpu.memory_space<vmem>>) target(%dma_start3A_279 : memref<128x256xf32, #tpu.memory_space<hbm>>) target_semaphore(%dma_start3A_277 : memref<!tpu.dma_semaphore, #tpu.memory_space<semaphore_mem>>)
        "tpu.trace_stop"() : () -> ()
      } else {
      }
      %and3A_161 = arith.constant true
      %and3A_162 = arith.andi %or3A_157, %and3A_161 : i1
      %add3A_163 = arith.constant 1 : i32
      %add3A_164 = arith.addi %scan3A_63, %add3A_163 : i32
      %select_n3A_165 = arith.select %and3A_162, %add3A_164, %scan3A_63 : i32
      %ne3A_166 = arith.cmpi ne, %add3A_72, %add3A_82 : i32
      %or3A_167 = arith.constant false
      %or3A_168 = arith.ori %or3A_167, %ne3A_166 : i1
      %not3A_169 = arith.constant true
      %not3A_170 = arith.xori %eq3A_68, %not3A_169 : i1
      %and3A_171 = arith.andi %or3A_168, %not3A_170 : i1
      %convert_element_type3A_172 = arith.extui %and3A_171 : i1 to i32
      %cond3A_173 = arith.constant 0 : i32
      %cond3A_174 = arith.cmpi ne, %convert_element_type3A_172, %cond3A_173 : i32
      scf.if %cond3A_174 {
      } else {
      }
      %and3A_175 = arith.constant false
      %and3A_176 = arith.andi %and3A_171, %and3A_175 : i1
      %ne3A_177 = arith.cmpi ne, %add3A_72, %add3A_82 : i32
      %or3A_178 = arith.constant false
      %or3A_179 = arith.ori %or3A_178, %ne3A_177 : i1
      %or3A_180 = arith.constant false
      %or3A_181 = arith.ori %or3A_179, %or3A_180 : i1
      %not3A_182 = arith.constant true
      %not3A_183 = arith.xori %eq3A_68, %not3A_182 : i1
      %and3A_184 = arith.andi %or3A_181, %not3A_183 : i1
      %convert_element_type3A_185 = arith.extui %and3A_184 : i1 to i32
      %cond3A_186 = arith.constant 0 : i32
      %cond3A_187 = arith.cmpi ne, %convert_element_type3A_185, %cond3A_186 : i32
      scf.if %cond3A_187 {
        "tpu.trace_start"() <{level = 10 : i32, message = "ep_wait_out"}> : () -> ()
        %rem3A_266 = arith.constant 2 : i32
        %rem3A_267 = arith.remui %scan3A_64, %rem3A_266 : i32
        %mul3A_268 = arith.constant 128 : i32
        %mul3A_269 = arith.muli %mul3A_268, %add3A_82 : i32
        %dma_wait3A_270 = arith.constant 0 : i32
        %dma_wait3A_271 = arith.constant 0 : i32
        %dma_wait3A_272 = tpu.memref_slice %run_scoped3A_8[%rem3A_267, %dma_wait3A_270, %dma_wait3A_271] : memref<2x128x256xf32, #tpu.memory_space<vmem>> -> memref<1x128x256xf32, #tpu.memory_space<vmem>>
        %dma_wait3A_273 = tpu.memref_squeeze %dma_wait3A_272 : memref<1x128x256xf32, #tpu.memory_space<vmem>> -> memref<128x256xf32, #tpu.memory_space<vmem>>
        %dma_wait3A_274 = arith.constant 0 : i32
        %dma_wait3A_275 = tpu.memref_slice %arg4[%mul3A_269, %dma_wait3A_274] : memref<4096x256xf32, #tpu.memory_space<hbm>> -> memref<128x256xf32, #tpu.memory_space<hbm>>
        %dma_wait3A_276 = tpu.memref_slice %run_scoped3A_9[%rem3A_267] : memref<2x!tpu.dma_semaphore, #tpu.memory_space<semaphore_mem>> -> memref<1x!tpu.dma_semaphore, #tpu.memory_space<semaphore_mem>>
        %dma_wait3A_277 = tpu.memref_squeeze %dma_wait3A_276 : memref<1x!tpu.dma_semaphore, #tpu.memory_space<semaphore_mem>> -> memref<!tpu.dma_semaphore, #tpu.memory_space<semaphore_mem>>
        %dma_wait3A_278 = arith.constant 0 : i32
        %dma_wait3A_279 = tpu.memref_slice %arg4[%mul3A_269, %dma_wait3A_278] : memref<4096x256xf32, #tpu.memory_space<hbm>> -> memref<128x256xf32, #tpu.memory_space<hbm>>
        %dma_wait3A_280 = arith.constant 0 : i32
        %dma_wait3A_281 = arith.constant 0 : i32
        %dma_wait3A_282 = tpu.memref_slice %run_scoped3A_8[%rem3A_267, %dma_wait3A_280, %dma_wait3A_281] : memref<2x128x256xf32, #tpu.memory_space<vmem>> -> memref<1x128x256xf32, #tpu.memory_space<vmem>>
        %dma_wait3A_283 = tpu.memref_squeeze %dma_wait3A_282 : memref<1x128x256xf32, #tpu.memory_space<vmem>> -> memref<128x256xf32, #tpu.memory_space<vmem>>
        tpu.wait_dma2 semaphore(%dma_wait3A_277 : memref<!tpu.dma_semaphore, #tpu.memory_space<semaphore_mem>>) src(%dma_wait3A_283 : memref<128x256xf32, #tpu.memory_space<vmem>>) dst(%dma_wait3A_279 : memref<128x256xf32, #tpu.memory_space<hbm>>)
        "tpu.trace_stop"() : () -> ()
      } else {
      }
      %and3A_188 = arith.constant true
      %and3A_189 = arith.andi %and3A_184, %and3A_188 : i1
      %add3A_190 = arith.constant 1 : i32
      %add3A_191 = arith.addi %scan3A_64, %add3A_190 : i32
      %select_n3A_192 = arith.select %and3A_189, %add3A_191, %scan3A_64 : i32
      %ne3A_193 = arith.cmpi ne, %add3A_72, %add3A_92 : i32
      %or3A_194 = arith.constant false
      %or3A_195 = arith.ori %or3A_194, %ne3A_193 : i1
      %or3A_196 = arith.ori %or3A_195, %eq3A_70 : i1
      %add3A_197 = arith.constant 1 : i32
      %add3A_198 = arith.addi %scan3A, %add3A_197 : i32
      %select_n3A_199 = arith.select %or3A_196, %add3A_198, %scan3A : i32
      %select_n3A_200 = arith.constant true
      %select_n3A_201 = arith.constant 0 : i32
      %select_n3A_202 = arith.constant 1 : i32
      %select_n3A_203 = arith.select %select_n3A_200, %select_n3A_202, %select_n3A_201 : i32
      %eq3A_204 = arith.constant 1 : i32
      %eq3A_205 = arith.cmpi eq, %select_n3A_203, %eq3A_204 : i32
      %select_n3A_206 = arith.constant 0 : i32
      %select_n3A_207 = arith.select %eq3A_205, %select_n3A_206, %select_n3A_203 : i32
      %scan3A_208 = arith.constant 0 : i32
      %scan3A_209 = arith.constant 1 : i32
      %sub3A = arith.constant 1 : i32
      %sub3A_210 = arith.subi %scan3A_208, %sub3A : i32
      %select_n3A_211 = arith.constant true
      %select_n3A_212 = arith.select %select_n3A_211, %sub3A_210, %scan3A_208 : i32
      %eq3A_213 = arith.constant -1 : i32
      %eq3A_214 = arith.cmpi eq, %select_n3A_212, %eq3A_213 : i32
      %select_n3A_215 = arith.constant 0 : i32
      %select_n3A_216 = arith.select %eq3A_214, %select_n3A_215, %select_n3A_212 : i32
      %add3A_217 = arith.constant 0 : i32
      %add3A_218 = arith.addi %add3A_217, %mul3A_6 : i32
      %select_n3A_219 = arith.constant true
      %select_n3A_220 = arith.constant 0 : i32
      %select_n3A_221 = arith.constant -1 : i32
      %select_n3A_222 = arith.select %select_n3A_219, %select_n3A_221, %select_n3A_220 : i32
      %eq3A_223 = arith.constant -1 : i32
      %eq3A_224 = arith.cmpi eq, %select_n3A_222, %eq3A_223 : i32
      %select_n3A_225 = arith.constant 0 : i32
      %select_n3A_226 = arith.select %eq3A_224, %select_n3A_225, %select_n3A_222 : i32
      %add3A_227 = arith.constant 0 : i32
      %add3A_228 = arith.addi %add3A_227, %mul3A_6 : i32
      %select_n3A_229 = arith.constant true
      %select_n3A_230 = arith.constant 0 : i32
      %select_n3A_231 = arith.constant 1 : i32
      %select_n3A_232 = arith.select %select_n3A_229, %select_n3A_231, %select_n3A_230 : i32
      %eq3A_233 = arith.constant 1 : i32
      %eq3A_234 = arith.cmpi eq, %select_n3A_232, %eq3A_233 : i32
      %select_n3A_235 = arith.constant 0 : i32
      %select_n3A_236 = arith.select %eq3A_234, %select_n3A_235, %select_n3A_232 : i32
      %add3A_237 = arith.constant 0 : i32
      %add3A_238 = arith.addi %add3A_237, %mul3A_6 : i32
      %select_n3A_239 = arith.constant true
      %select_n3A_240 = arith.constant 0 : i32
      %select_n3A_241 = arith.constant 1 : i32
      %select_n3A_242 = arith.select %select_n3A_239, %select_n3A_241, %select_n3A_240 : i32
      %eq3A_243 = arith.constant 1 : i32
      %eq3A_244 = arith.cmpi eq, %select_n3A_242, %eq3A_243 : i32
      %select_n3A_245 = arith.constant 0 : i32
      %select_n3A_246 = arith.select %eq3A_244, %select_n3A_245, %select_n3A_242 : i32
      %add3A_247 = arith.constant 0 : i32
      %add3A_248 = arith.addi %add3A_247, %mul3A_6 : i32
      "tpu.trace_start"() <{level = 10 : i32, message = "ep_finalize"}> : () -> ()
      %rem3A_249 = arith.constant 2 : i32
      %rem3A_250 = arith.remui %select_n3A_192, %rem3A_249 : i32
      %mul3A_251 = arith.constant 128 : i32
      %mul3A_252 = arith.muli %mul3A_251, %add3A_218 : i32
      %dma_wait3A = arith.constant 0 : i32
      %dma_wait3A_253 = arith.constant 0 : i32
      %dma_wait3A_254 = tpu.memref_slice %run_scoped3A_8[%rem3A_250, %dma_wait3A, %dma_wait3A_253] : memref<2x128x256xf32, #tpu.memory_space<vmem>> -> memref<1x128x256xf32, #tpu.memory_space<vmem>>
      %dma_wait3A_255 = tpu.memref_squeeze %dma_wait3A_254 : memref<1x128x256xf32, #tpu.memory_space<vmem>> -> memref<128x256xf32, #tpu.memory_space<vmem>>
      %dma_wait3A_256 = arith.constant 0 : i32
      %dma_wait3A_257 = tpu.memref_slice %arg4[%mul3A_252, %dma_wait3A_256] : memref<4096x256xf32, #tpu.memory_space<hbm>> -> memref<128x256xf32, #tpu.memory_space<hbm>>
      %dma_wait3A_258 = tpu.memref_slice %run_scoped3A_9[%rem3A_250] : memref<2x!tpu.dma_semaphore, #tpu.memory_space<semaphore_mem>> -> memref<1x!tpu.dma_semaphore, #tpu.memory_space<semaphore_mem>>
      %dma_wait3A_259 = tpu.memref_squeeze %dma_wait3A_258 : memref<1x!tpu.dma_semaphore, #tpu.memory_space<semaphore_mem>> -> memref<!tpu.dma_semaphore, #tpu.memory_space<semaphore_mem>>
      %dma_wait3A_260 = arith.constant 0 : i32
      %dma_wait3A_261 = tpu.memref_slice %arg4[%mul3A_252, %dma_wait3A_260] : memref<4096x256xf32, #tpu.memory_space<hbm>> -> memref<128x256xf32, #tpu.memory_space<hbm>>
      %dma_wait3A_262 = arith.constant 0 : i32
      %dma_wait3A_263 = arith.constant 0 : i32
      %dma_wait3A_264 = tpu.memref_slice %run_scoped3A_8[%rem3A_250, %dma_wait3A_262, %dma_wait3A_263] : memref<2x128x256xf32, #tpu.memory_space<vmem>> -> memref<1x128x256xf32, #tpu.memory_space<vmem>>
      %dma_wait3A_265 = tpu.memref_squeeze %dma_wait3A_264 : memref<1x128x256xf32, #tpu.memory_space<vmem>> -> memref<128x256xf32, #tpu.memory_space<vmem>>
      tpu.wait_dma2 semaphore(%dma_wait3A_259 : memref<!tpu.dma_semaphore, #tpu.memory_space<semaphore_mem>>) src(%dma_wait3A_265 : memref<128x256xf32, #tpu.memory_space<vmem>>) dst(%dma_wait3A_261 : memref<128x256xf32, #tpu.memory_space<hbm>>)
      "tpu.trace_stop"() : () -> ()
      tpu.yield
    }) : () -> ()
    return
  }
}

module attributes {stable_mosaic.version = 14 : i64} {
  func.func @_main_body(%arg0: i32, %arg1: memref<1x100x1xf32, #tpu.memory_space<vmem>>, %arg2: memref<1x100x1xf32, #tpu.memory_space<vmem>>, %arg3: memref<1x8x100x8x256xf32, #tpu.memory_space<vmem>>, %arg4: memref<1x8x100x8x256xf32, #tpu.memory_space<vmem>>, %arg5: memref<1x100x8x256xf32, #tpu.memory_space<vmem>>, %arg6: memref<1x100x8x256xf32, #tpu.memory_space<vmem>>, %arg7: memref<256x256xf32, #tpu.memory_space<vmem>>) attributes {dimension_semantics = [#tpu.dimension_semantics<arbitrary>], iteration_bounds = array<i64: 17>, scalar_prefetch = 0 : i64, scratch_operands = 0 : i64, tpu.core_type = #tpu.core_type<tc>, window_params = [{transform_indices = @transform_0, window_bounds = array<i64: 1, 100, 1>}, {transform_indices = @transform_1, window_bounds = array<i64: 1, 100, 1>}, {transform_indices = @transform_2, window_bounds = array<i64: 1, 8, 100, 8, 256>}, {transform_indices = @transform_3, window_bounds = array<i64: 1, 8, 100, 8, 256>}, {transform_indices = @transform_4, window_bounds = array<i64: 1, 100, 8, 256>}, {transform_indices = @transform_5, window_bounds = array<i64: 1, 100, 8, 256>}, {transform_indices = @transform_6, window_bounds = array<i64: 256, 256>}]} {
    %lt3A = arith.constant 16 : i32
    %lt3A_0 = arith.cmpi slt, %arg0, %lt3A : i32
    %convert_element_type3A = arith.extui %lt3A_0 : i1 to i32
    %cond3A = arith.constant 0 : i32
    %cond3A_1 = arith.cmpi ne, %convert_element_type3A, %cond3A : i32
    scf.if %cond3A_1 {
      %get3A = arith.constant 0 : index
      %get3A_6 = arith.constant 0 : index
      %get3A_7 = arith.constant 0 : index
      %get3A_8 = arith.constant 0 : index
      %get3A_9 = arith.constant 0 : index
      %get3A_10 = vector.load %arg3[%get3A, %get3A_6, %get3A_7, %get3A_8, %get3A_9] : memref<1x8x100x8x256xf32, #tpu.memory_space<vmem>>, vector<1x8x100x8x256xf32>
      %get3A_11 = vector.shape_cast %get3A_10 : vector<1x8x100x8x256xf32> to vector<8x100x8x256xf32>
      %get3A_12 = arith.constant 0 : index
      %get3A_13 = arith.constant 0 : index
      %get3A_14 = arith.constant 0 : index
      %get3A_15 = arith.constant 0 : index
      %get3A_16 = arith.constant 0 : index
      %get3A_17 = vector.load %arg4[%get3A_12, %get3A_13, %get3A_14, %get3A_15, %get3A_16] : memref<1x8x100x8x256xf32, #tpu.memory_space<vmem>>, vector<1x8x100x8x256xf32>
      %get3A_18 = vector.shape_cast %get3A_17 : vector<1x8x100x8x256xf32> to vector<8x100x8x256xf32>
      %get3A_19 = arith.constant 0 : index
      %get3A_20 = arith.constant 0 : index
      %get3A_21 = arith.constant 0 : index
      %get3A_22 = vector.load %arg1[%get3A_19, %get3A_20, %get3A_21] : memref<1x100x1xf32, #tpu.memory_space<vmem>>, vector<1x100x1xf32>
      %get3A_23 = vector.shape_cast %get3A_22 : vector<1x100x1xf32> to vector<100x1xf32>
      %broadcast_in_dim3A = vector.shape_cast %get3A_23 : vector<100x1xf32> to vector<1x100x1x1xf32>
      %mul3A = vector.broadcast %broadcast_in_dim3A : vector<1x100x1x1xf32> to vector<8x100x8x256xf32>
      %mul3A_24 = arith.mulf %get3A_11, %mul3A : vector<8x100x8x256xf32>
      %reduce_sum3A = arith.constant dense<0.000000e+00> : vector<8x8x256xf32>
      %reduce_sum3A_25 = vector.multi_reduction <add>, %mul3A_24, %reduce_sum3A [1] : vector<8x100x8x256xf32> to vector<8x8x256xf32>
      %exp3A = math.exp %reduce_sum3A_25 : vector<8x8x256xf32>
      %reduce_sum3A_26 = arith.constant dense<0.000000e+00> : vector<8x256xf32>
      %reduce_sum3A_27 = vector.multi_reduction <add>, %exp3A, %reduce_sum3A_26 [1] : vector<8x8x256xf32> to vector<8x256xf32>
      %broadcast_in_dim3A_28 = vector.shape_cast %reduce_sum3A_27 : vector<8x256xf32> to vector<8x1x256xf32>
      %div3A = vector.broadcast %broadcast_in_dim3A_28 : vector<8x1x256xf32> to vector<8x8x256xf32>
      %div3A_29 = arith.divf %exp3A, %div3A : vector<8x8x256xf32>
      %broadcast_in_dim3A_30 = vector.shape_cast %div3A_29 : vector<8x8x256xf32> to vector<8x1x8x256xf32>
      %mul3A_31 = vector.broadcast %broadcast_in_dim3A_30 : vector<8x1x8x256xf32> to vector<8x100x8x256xf32>
      %mul3A_32 = arith.mulf %mul3A_31, %get3A_18 : vector<8x100x8x256xf32>
      %reduce_sum3A_33 = arith.constant dense<0.000000e+00> : vector<8x100x256xf32>
      %reduce_sum3A_34 = vector.multi_reduction <add>, %mul3A_32, %reduce_sum3A_33 [2] : vector<8x100x8x256xf32> to vector<8x100x256xf32>
      %get3A_35 = arith.constant 0 : index
      %get3A_36 = arith.constant 0 : index
      %get3A_37 = arith.constant 0 : index
      %get3A_38 = arith.constant 0 : index
      %get3A_39 = vector.load %arg5[%get3A_35, %get3A_36, %get3A_37, %get3A_38] : memref<1x100x8x256xf32, #tpu.memory_space<vmem>>, vector<1x100x8x256xf32>
      %get3A_40 = vector.shape_cast %get3A_39 : vector<1x100x8x256xf32> to vector<100x8x256xf32>
      %get3A_41 = arith.constant 0 : index
      %get3A_42 = arith.constant 0 : index
      %get3A_43 = arith.constant 0 : index
      %get3A_44 = arith.constant 0 : index
      %get3A_45 = vector.load %arg6[%get3A_41, %get3A_42, %get3A_43, %get3A_44] : memref<1x100x8x256xf32, #tpu.memory_space<vmem>>, vector<1x100x8x256xf32>
      %get3A_46 = vector.shape_cast %get3A_45 : vector<1x100x8x256xf32> to vector<100x8x256xf32>
      %get3A_47 = arith.constant 0 : index
      %get3A_48 = arith.constant 0 : index
      %get3A_49 = arith.constant 0 : index
      %get3A_50 = vector.load %arg2[%get3A_47, %get3A_48, %get3A_49] : memref<1x100x1xf32, #tpu.memory_space<vmem>>, vector<1x100x1xf32>
      %get3A_51 = vector.shape_cast %get3A_50 : vector<1x100x1xf32> to vector<100x1xf32>
      %broadcast_in_dim3A_52 = vector.shape_cast %get3A_51 : vector<100x1xf32> to vector<100x1x1xf32>
      %mul3A_53 = vector.broadcast %broadcast_in_dim3A_52 : vector<100x1x1xf32> to vector<100x8x256xf32>
      %mul3A_54 = arith.mulf %get3A_40, %mul3A_53 : vector<100x8x256xf32>
      %reduce_sum3A_55 = arith.constant dense<0.000000e+00> : vector<8x256xf32>
      %reduce_sum3A_56 = vector.multi_reduction <add>, %mul3A_54, %reduce_sum3A_55 [0] : vector<100x8x256xf32> to vector<8x256xf32>
      %exp3A_57 = math.exp %reduce_sum3A_56 : vector<8x256xf32>
      %reduce_sum3A_58 = arith.constant dense<0.000000e+00> : vector<256xf32>
      %reduce_sum3A_59 = vector.multi_reduction <add>, %exp3A_57, %reduce_sum3A_58 [0] : vector<8x256xf32> to vector<256xf32>
      %broadcast_in_dim3A_60 = vector.shape_cast %reduce_sum3A_59 : vector<256xf32> to vector<1x256xf32>
      %div3A_61 = vector.broadcast %broadcast_in_dim3A_60 : vector<1x256xf32> to vector<8x256xf32>
      %div3A_62 = arith.divf %exp3A_57, %div3A_61 : vector<8x256xf32>
      %broadcast_in_dim3A_63 = vector.shape_cast %div3A_62 : vector<8x256xf32> to vector<1x8x256xf32>
      %mul3A_64 = vector.broadcast %broadcast_in_dim3A_63 : vector<1x8x256xf32> to vector<100x8x256xf32>
      %mul3A_65 = arith.mulf %mul3A_64, %get3A_46 : vector<100x8x256xf32>
      %reduce_sum3A_66 = arith.constant dense<0.000000e+00> : vector<100x256xf32>
      %reduce_sum3A_67 = vector.multi_reduction <add>, %mul3A_65, %reduce_sum3A_66 [1] : vector<100x8x256xf32> to vector<100x256xf32>
      %broadcast_in_dim3A_68 = vector.shape_cast %div3A_62 : vector<8x256xf32> to vector<8x1x256xf32>
      %mul3A_69 = vector.broadcast %broadcast_in_dim3A_68 : vector<8x1x256xf32> to vector<8x100x256xf32>
      %mul3A_70 = arith.mulf %mul3A_69, %reduce_sum3A_34 : vector<8x100x256xf32>
      %reduce_sum3A_71 = arith.constant dense<0.000000e+00> : vector<100x256xf32>
      %reduce_sum3A_72 = vector.multi_reduction <add>, %mul3A_70, %reduce_sum3A_71 [0] : vector<8x100x256xf32> to vector<100x256xf32>
      %concatenate3A = tpu.concatenate %reduce_sum3A_67, %reduce_sum3A_72 in 0 : vector<100x256xf32>, vector<100x256xf32> -> vector<200x256xf32>
      %transpose3A = tpu.transpose %concatenate3A, [1, 0] : vector<200x256xf32> -> vector<256x200xf32>
      %jit3A = arith.constant 0 : i32
      %convert_element_type3A_73 = arith.sitofp %jit3A : i32 to f32
      %pad3A = vector.broadcast %convert_element_type3A_73 : f32 to vector<256x56xf32>
      %pad3A_74 = tpu.concatenate %transpose3A, %pad3A in 1 : vector<256x200xf32>, vector<256x56xf32> -> vector<256x256xf32>
      %swap3A = arith.constant 0 : index
      %swap3A_75 = arith.constant 0 : index
      %swap3A_76 = vector.load %arg7[%swap3A, %swap3A_75] : memref<256x256xf32, #tpu.memory_space<vmem>>, vector<256x256xf32>
      tpu.vector_store %arg7[%swap3A, %swap3A_75], %pad3A_74 {strides = array<i32>} : memref<256x256xf32, #tpu.memory_space<vmem>>, vector<256x256xf32>,
    } else {
    }
    %eq3A = arith.constant 16 : i32
    %eq3A_2 = arith.cmpi eq, %arg0, %eq3A : i32
    %convert_element_type3A_3 = arith.extui %eq3A_2 : i1 to i32
    %cond3A_4 = arith.constant 0 : i32
    %cond3A_5 = arith.cmpi ne, %convert_element_type3A_3, %cond3A_4 : i32
    scf.if %cond3A_5 {
      %broadcast_in_dim3A = arith.constant 0.000000e+00 : f32
      %broadcast_in_dim3A_6 = vector.broadcast %broadcast_in_dim3A : f32 to vector<256x256xf32>
      %swap3A = arith.constant 0 : index
      %swap3A_7 = arith.constant 0 : index
      %swap3A_8 = vector.load %arg7[%swap3A, %swap3A_7] : memref<256x256xf32, #tpu.memory_space<vmem>>, vector<256x256xf32>
      tpu.vector_store %arg7[%swap3A, %swap3A_7], %broadcast_in_dim3A_6 {strides = array<i32>} : memref<256x256xf32, #tpu.memory_space<vmem>>, vector<256x256xf32>,
    } else {
    }
    return
  }
  func.func @transform_0(%arg0: i32) -> (i32, i32, i32) {
    %min3A = arith.constant 15 : i32
    %min3A_0 = arith.minsi %arg0, %min3A : i32
    %c0_i32 = arith.constant 0 : i32
    %c0_i32_1 = arith.constant 0 : i32
    %c0_i32_2 = arith.constant 0 : i32
    return %min3A_0, %c0_i32, %c0_i32_1 : i32, i32, i32
  }
  func.func @transform_1(%arg0: i32) -> (i32, i32, i32) {
    %min3A = arith.constant 15 : i32
    %min3A_0 = arith.minsi %arg0, %min3A : i32
    %c0_i32 = arith.constant 0 : i32
    %c0_i32_1 = arith.constant 0 : i32
    %c0_i32_2 = arith.constant 0 : i32
    return %min3A_0, %c0_i32, %c0_i32_1 : i32, i32, i32
  }
  func.func @transform_2(%arg0: i32) -> (i32, i32, i32, i32, i32) {
    %min3A = arith.constant 15 : i32
    %min3A_0 = arith.minsi %arg0, %min3A : i32
    %c0_i32 = arith.constant 0 : i32
    %c0_i32_1 = arith.constant 0 : i32
    %c0_i32_2 = arith.constant 0 : i32
    %c0_i32_3 = arith.constant 0 : i32
    %c0_i32_4 = arith.constant 0 : i32
    return %min3A_0, %c0_i32, %c0_i32_1, %c0_i32_2, %c0_i32_3 : i32, i32, i32, i32, i32
  }
  func.func @transform_3(%arg0: i32) -> (i32, i32, i32, i32, i32) {
    %min3A = arith.constant 15 : i32
    %min3A_0 = arith.minsi %arg0, %min3A : i32
    %c0_i32 = arith.constant 0 : i32
    %c0_i32_1 = arith.constant 0 : i32
    %c0_i32_2 = arith.constant 0 : i32
    %c0_i32_3 = arith.constant 0 : i32
    %c0_i32_4 = arith.constant 0 : i32
    return %min3A_0, %c0_i32, %c0_i32_1, %c0_i32_2, %c0_i32_3 : i32, i32, i32, i32, i32
  }
  func.func @transform_4(%arg0: i32) -> (i32, i32, i32, i32) {
    %min3A = arith.constant 15 : i32
    %min3A_0 = arith.minsi %arg0, %min3A : i32
    %c0_i32 = arith.constant 0 : i32
    %c0_i32_1 = arith.constant 0 : i32
    %c0_i32_2 = arith.constant 0 : i32
    %c0_i32_3 = arith.constant 0 : i32
    return %min3A_0, %c0_i32, %c0_i32_1, %c0_i32_2 : i32, i32, i32, i32
  }
  func.func @transform_5(%arg0: i32) -> (i32, i32, i32, i32) {
    %min3A = arith.constant 15 : i32
    %min3A_0 = arith.minsi %arg0, %min3A : i32
    %c0_i32 = arith.constant 0 : i32
    %c0_i32_1 = arith.constant 0 : i32
    %c0_i32_2 = arith.constant 0 : i32
    %c0_i32_3 = arith.constant 0 : i32
    return %min3A_0, %c0_i32, %c0_i32_1, %c0_i32_2 : i32, i32, i32, i32
  }
  func.func @transform_6(%arg0: i32) -> (i32, i32) {
    %c0_i32 = arith.constant 0 : i32
    %c0_i32_0 = arith.constant 0 : i32
    return %arg0, %c0_i32 : i32, i32
  }
}

module attributes {stable_mosaic.version = 14 : i64} {
  func.func @_prep_body(%arg0: memref<16x256xi32, #tpu.memory_space<vmem>>, %arg1: memref<16x768xf32, #tpu.memory_space<vmem>>, %arg2: memref<100x768xf32, #tpu.memory_space<vmem>>, %arg3: memref<1x100xf32, #tpu.memory_space<vmem>>, %arg4: memref<100x100xf32, #tpu.memory_space<vmem>>, %arg5: memref<100x768xf32, #tpu.memory_space<vmem>>, %arg6: memref<1x100xf32, #tpu.memory_space<vmem>>, %arg7: memref<100x100xf32, #tpu.memory_space<vmem>>, %arg8: memref<16x100x1xf32, #tpu.memory_space<vmem>>, %arg9: memref<16x100x1xf32, #tpu.memory_space<vmem>>, %arg10: memref<16x256xi32, #tpu.memory_space<vmem>>) attributes {dimension_semantics = [], scalar_prefetch = 0 : i64, scratch_operands = 0 : i64, tpu.core_type = #tpu.core_type<tc>} {
    %get3A = arith.constant 0 : index
    %get3A_0 = arith.constant 0 : index
    %get3A_1 = vector.load %arg1[%get3A, %get3A_0] : memref<16x768xf32, #tpu.memory_space<vmem>>, vector<16x768xf32>
    %get3A_2 = arith.constant 0 : index
    %get3A_3 = arith.constant 0 : index
    %get3A_4 = vector.load %arg2[%get3A_2, %get3A_3] : memref<100x768xf32, #tpu.memory_space<vmem>>, vector<100x768xf32>
    %dot_general3A = arith.constant dense<0.000000e+00> : vector<16x100xf32>
    %dot_general3A_5 = tpu.matmul %get3A_1, %get3A_4, %dot_general3A {dimension_numbers = #tpu.dot_dimension_numbers<[1], [1], [0], [0], [0, 0, 1, 0], [], []>, transpose_lhs_hint = false} : vector<16x768xf32>, vector<100x768xf32>, vector<16x100xf32> -> vector<16x100xf32>
    %get3A_6 = arith.constant 0 : index
    %get3A_7 = arith.constant 0 : index
    %get3A_8 = vector.load %arg3[%get3A_6, %get3A_7] : memref<1x100xf32, #tpu.memory_space<vmem>>, vector<1x100xf32>
    %add3A = vector.broadcast %get3A_8 : vector<1x100xf32> to vector<16x100xf32>
    %add3A_9 = arith.addf %dot_general3A_5, %add3A : vector<16x100xf32>
    %tanh3A = math.tanh %add3A_9 : vector<16x100xf32>
    %get3A_10 = arith.constant 0 : index
    %get3A_11 = arith.constant 0 : index
    %get3A_12 = vector.load %arg4[%get3A_10, %get3A_11] : memref<100x100xf32, #tpu.memory_space<vmem>>, vector<100x100xf32>
    %dot_general3A_13 = arith.constant dense<0.000000e+00> : vector<16x100xf32>
    %dot_general3A_14 = tpu.matmul %tanh3A, %get3A_12, %dot_general3A_13 {dimension_numbers = #tpu.dot_dimension_numbers<[1], [0], [0], [1], [0, 0, 1, 1], [], []>, transpose_lhs_hint = false} : vector<16x100xf32>, vector<100x100xf32>, vector<16x100xf32> -> vector<16x100xf32>
    %mul3A = arith.constant 1.000000e-01 : f32
    %mul3A_15 = vector.broadcast %mul3A : f32 to vector<16x100xf32>
    %mul3A_16 = arith.mulf %dot_general3A_14, %mul3A_15 : vector<16x100xf32>
    %get3A_17 = arith.constant 0 : index
    %get3A_18 = arith.constant 0 : index
    %get3A_19 = vector.load %arg5[%get3A_17, %get3A_18] : memref<100x768xf32, #tpu.memory_space<vmem>>, vector<100x768xf32>
    %dot_general3A_20 = arith.constant dense<0.000000e+00> : vector<16x100xf32>
    %dot_general3A_21 = tpu.matmul %get3A_1, %get3A_19, %dot_general3A_20 {dimension_numbers = #tpu.dot_dimension_numbers<[1], [1], [0], [0], [0, 0, 1, 0], [], []>, transpose_lhs_hint = false} : vector<16x768xf32>, vector<100x768xf32>, vector<16x100xf32> -> vector<16x100xf32>
    %get3A_22 = arith.constant 0 : index
    %get3A_23 = arith.constant 0 : index
    %get3A_24 = vector.load %arg6[%get3A_22, %get3A_23] : memref<1x100xf32, #tpu.memory_space<vmem>>, vector<1x100xf32>
    %add3A_25 = vector.broadcast %get3A_24 : vector<1x100xf32> to vector<16x100xf32>
    %add3A_26 = arith.addf %dot_general3A_21, %add3A_25 : vector<16x100xf32>
    %tanh3A_27 = math.tanh %add3A_26 : vector<16x100xf32>
    %get3A_28 = arith.constant 0 : index
    %get3A_29 = arith.constant 0 : index
    %get3A_30 = vector.load %arg7[%get3A_28, %get3A_29] : memref<100x100xf32, #tpu.memory_space<vmem>>, vector<100x100xf32>
    %dot_general3A_31 = arith.constant dense<0.000000e+00> : vector<16x100xf32>
    %dot_general3A_32 = tpu.matmul %tanh3A_27, %get3A_30, %dot_general3A_31 {dimension_numbers = #tpu.dot_dimension_numbers<[1], [0], [0], [1], [0, 0, 1, 1], [], []>, transpose_lhs_hint = false} : vector<16x100xf32>, vector<100x100xf32>, vector<16x100xf32> -> vector<16x100xf32>
    %mul3A_33 = arith.constant 1.000000e-01 : f32
    %mul3A_34 = vector.broadcast %mul3A_33 : f32 to vector<16x100xf32>
    %mul3A_35 = arith.mulf %dot_general3A_32, %mul3A_34 : vector<16x100xf32>
    %transpose3A = tpu.transpose %mul3A_16, [1, 0] : vector<16x100xf32> -> vector<100x16xf32>
    %transpose3A_36 = tpu.transpose %mul3A_35, [1, 0] : vector<16x100xf32> -> vector<100x16xf32>
    %slice3A = vector.extract_strided_slice %transpose3A {offsets = [0, 0], sizes = [100, 1], strides = [1, 1]} : vector<100x16xf32> to vector<100x1xf32>
    %swap3A = arith.constant 0 : index
    %swap3A_37 = arith.constant 0 : index
    %swap3A_38 = arith.constant 0 : index
    %swap3A_39 = vector.load %arg8[%swap3A, %swap3A_37, %swap3A_38] : memref<16x100x1xf32, #tpu.memory_space<vmem>>, vector<1x100x1xf32>
    %swap3A_40 = vector.shape_cast %swap3A_39 : vector<1x100x1xf32> to vector<100x1xf32>
    %swap3A_41 = vector.shape_cast %slice3A : vector<100x1xf32> to vector<1x100x1xf32>
    tpu.vector_store %arg8[%swap3A, %swap3A_37, %swap3A_38], %swap3A_41 {strides = array<i32>} : memref<16x100x1xf32, #tpu.memory_space<vmem>>, vector<1x100x1xf32>,
    %slice3A_42 = vector.extract_strided_slice %transpose3A_36 {offsets = [0, 0], sizes = [100, 1], strides = [1, 1]} : vector<100x16xf32> to vector<100x1xf32>
    %swap3A_43 = arith.constant 0 : index
    %swap3A_44 = arith.constant 0 : index
    %swap3A_45 = arith.constant 0 : index
    %swap3A_46 = vector.load %arg9[%swap3A_43, %swap3A_44, %swap3A_45] : memref<16x100x1xf32, #tpu.memory_space<vmem>>, vector<1x100x1xf32>
    %swap3A_47 = vector.shape_cast %swap3A_46 : vector<1x100x1xf32> to vector<100x1xf32>
    %swap3A_48 = vector.shape_cast %slice3A_42 : vector<100x1xf32> to vector<1x100x1xf32>
    tpu.vector_store %arg9[%swap3A_43, %swap3A_44, %swap3A_45], %swap3A_48 {strides = array<i32>} : memref<16x100x1xf32, #tpu.memory_space<vmem>>, vector<1x100x1xf32>,
    %slice3A_49 = vector.extract_strided_slice %transpose3A {offsets = [0, 1], sizes = [100, 1], strides = [1, 1]} : vector<100x16xf32> to vector<100x1xf32>
    %swap3A_50 = arith.constant 1 : index
    %swap3A_51 = arith.constant 0 : index
    %swap3A_52 = arith.constant 0 : index
    %swap3A_53 = vector.load %arg8[%swap3A_50, %swap3A_51, %swap3A_52] : memref<16x100x1xf32, #tpu.memory_space<vmem>>, vector<1x100x1xf32>
    %swap3A_54 = vector.shape_cast %swap3A_53 : vector<1x100x1xf32> to vector<100x1xf32>
    %swap3A_55 = vector.shape_cast %slice3A_49 : vector<100x1xf32> to vector<1x100x1xf32>
    tpu.vector_store %arg8[%swap3A_50, %swap3A_51, %swap3A_52], %swap3A_55 {strides = array<i32>} : memref<16x100x1xf32, #tpu.memory_space<vmem>>, vector<1x100x1xf32>,
    %slice3A_56 = vector.extract_strided_slice %transpose3A_36 {offsets = [0, 1], sizes = [100, 1], strides = [1, 1]} : vector<100x16xf32> to vector<100x1xf32>
    %swap3A_57 = arith.constant 1 : index
    %swap3A_58 = arith.constant 0 : index
    %swap3A_59 = arith.constant 0 : index
    %swap3A_60 = vector.load %arg9[%swap3A_57, %swap3A_58, %swap3A_59] : memref<16x100x1xf32, #tpu.memory_space<vmem>>, vector<1x100x1xf32>
    %swap3A_61 = vector.shape_cast %swap3A_60 : vector<1x100x1xf32> to vector<100x1xf32>
    %swap3A_62 = vector.shape_cast %slice3A_56 : vector<100x1xf32> to vector<1x100x1xf32>
    tpu.vector_store %arg9[%swap3A_57, %swap3A_58, %swap3A_59], %swap3A_62 {strides = array<i32>} : memref<16x100x1xf32, #tpu.memory_space<vmem>>, vector<1x100x1xf32>,
    %slice3A_63 = vector.extract_strided_slice %transpose3A {offsets = [0, 2], sizes = [100, 1], strides = [1, 1]} : vector<100x16xf32> to vector<100x1xf32>
    %swap3A_64 = arith.constant 2 : index
    %swap3A_65 = arith.constant 0 : index
    %swap3A_66 = arith.constant 0 : index
    %swap3A_67 = vector.load %arg8[%swap3A_64, %swap3A_65, %swap3A_66] : memref<16x100x1xf32, #tpu.memory_space<vmem>>, vector<1x100x1xf32>
    %swap3A_68 = vector.shape_cast %swap3A_67 : vector<1x100x1xf32> to vector<100x1xf32>
    %swap3A_69 = vector.shape_cast %slice3A_63 : vector<100x1xf32> to vector<1x100x1xf32>
    tpu.vector_store %arg8[%swap3A_64, %swap3A_65, %swap3A_66], %swap3A_69 {strides = array<i32>} : memref<16x100x1xf32, #tpu.memory_space<vmem>>, vector<1x100x1xf32>,
    %slice3A_70 = vector.extract_strided_slice %transpose3A_36 {offsets = [0, 2], sizes = [100, 1], strides = [1, 1]} : vector<100x16xf32> to vector<100x1xf32>
    %swap3A_71 = arith.constant 2 : index
    %swap3A_72 = arith.constant 0 : index
    %swap3A_73 = arith.constant 0 : index
    %swap3A_74 = vector.load %arg9[%swap3A_71, %swap3A_72, %swap3A_73] : memref<16x100x1xf32, #tpu.memory_space<vmem>>, vector<1x100x1xf32>
    %swap3A_75 = vector.shape_cast %swap3A_74 : vector<1x100x1xf32> to vector<100x1xf32>
    %swap3A_76 = vector.shape_cast %slice3A_70 : vector<100x1xf32> to vector<1x100x1xf32>
    tpu.vector_store %arg9[%swap3A_71, %swap3A_72, %swap3A_73], %swap3A_76 {strides = array<i32>} : memref<16x100x1xf32, #tpu.memory_space<vmem>>, vector<1x100x1xf32>,
    %slice3A_77 = vector.extract_strided_slice %transpose3A {offsets = [0, 3], sizes = [100, 1], strides = [1, 1]} : vector<100x16xf32> to vector<100x1xf32>
    %swap3A_78 = arith.constant 3 : index
    %swap3A_79 = arith.constant 0 : index
    %swap3A_80 = arith.constant 0 : index
    %swap3A_81 = vector.load %arg8[%swap3A_78, %swap3A_79, %swap3A_80] : memref<16x100x1xf32, #tpu.memory_space<vmem>>, vector<1x100x1xf32>
    %swap3A_82 = vector.shape_cast %swap3A_81 : vector<1x100x1xf32> to vector<100x1xf32>
    %swap3A_83 = vector.shape_cast %slice3A_77 : vector<100x1xf32> to vector<1x100x1xf32>
    tpu.vector_store %arg8[%swap3A_78, %swap3A_79, %swap3A_80], %swap3A_83 {strides = array<i32>} : memref<16x100x1xf32, #tpu.memory_space<vmem>>, vector<1x100x1xf32>,
    %slice3A_84 = vector.extract_strided_slice %transpose3A_36 {offsets = [0, 3], sizes = [100, 1], strides = [1, 1]} : vector<100x16xf32> to vector<100x1xf32>
    %swap3A_85 = arith.constant 3 : index
    %swap3A_86 = arith.constant 0 : index
    %swap3A_87 = arith.constant 0 : index
    %swap3A_88 = vector.load %arg9[%swap3A_85, %swap3A_86, %swap3A_87] : memref<16x100x1xf32, #tpu.memory_space<vmem>>, vector<1x100x1xf32>
    %swap3A_89 = vector.shape_cast %swap3A_88 : vector<1x100x1xf32> to vector<100x1xf32>
    %swap3A_90 = vector.shape_cast %slice3A_84 : vector<100x1xf32> to vector<1x100x1xf32>
    tpu.vector_store %arg9[%swap3A_85, %swap3A_86, %swap3A_87], %swap3A_90 {strides = array<i32>} : memref<16x100x1xf32, #tpu.memory_space<vmem>>, vector<1x100x1xf32>,
    %slice3A_91 = vector.extract_strided_slice %transpose3A {offsets = [0, 4], sizes = [100, 1], strides = [1, 1]} : vector<100x16xf32> to vector<100x1xf32>
    %swap3A_92 = arith.constant 4 : index
    %swap3A_93 = arith.constant 0 : index
    %swap3A_94 = arith.constant 0 : index
    %swap3A_95 = vector.load %arg8[%swap3A_92, %swap3A_93, %swap3A_94] : memref<16x100x1xf32, #tpu.memory_space<vmem>>, vector<1x100x1xf32>
    %swap3A_96 = vector.shape_cast %swap3A_95 : vector<1x100x1xf32> to vector<100x1xf32>
    %swap3A_97 = vector.shape_cast %slice3A_91 : vector<100x1xf32> to vector<1x100x1xf32>
    tpu.vector_store %arg8[%swap3A_92, %swap3A_93, %swap3A_94], %swap3A_97 {strides = array<i32>} : memref<16x100x1xf32, #tpu.memory_space<vmem>>, vector<1x100x1xf32>,
    %slice3A_98 = vector.extract_strided_slice %transpose3A_36 {offsets = [0, 4], sizes = [100, 1], strides = [1, 1]} : vector<100x16xf32> to vector<100x1xf32>
    %swap3A_99 = arith.constant 4 : index
    %swap3A_100 = arith.constant 0 : index
    %swap3A_101 = arith.constant 0 : index
    %swap3A_102 = vector.load %arg9[%swap3A_99, %swap3A_100, %swap3A_101] : memref<16x100x1xf32, #tpu.memory_space<vmem>>, vector<1x100x1xf32>
    %swap3A_103 = vector.shape_cast %swap3A_102 : vector<1x100x1xf32> to vector<100x1xf32>
    %swap3A_104 = vector.shape_cast %slice3A_98 : vector<100x1xf32> to vector<1x100x1xf32>
    tpu.vector_store %arg9[%swap3A_99, %swap3A_100, %swap3A_101], %swap3A_104 {strides = array<i32>} : memref<16x100x1xf32, #tpu.memory_space<vmem>>, vector<1x100x1xf32>,
    %slice3A_105 = vector.extract_strided_slice %transpose3A {offsets = [0, 5], sizes = [100, 1], strides = [1, 1]} : vector<100x16xf32> to vector<100x1xf32>
    %swap3A_106 = arith.constant 5 : index
    %swap3A_107 = arith.constant 0 : index
    %swap3A_108 = arith.constant 0 : index
    %swap3A_109 = vector.load %arg8[%swap3A_106, %swap3A_107, %swap3A_108] : memref<16x100x1xf32, #tpu.memory_space<vmem>>, vector<1x100x1xf32>
    %swap3A_110 = vector.shape_cast %swap3A_109 : vector<1x100x1xf32> to vector<100x1xf32>
    %swap3A_111 = vector.shape_cast %slice3A_105 : vector<100x1xf32> to vector<1x100x1xf32>
    tpu.vector_store %arg8[%swap3A_106, %swap3A_107, %swap3A_108], %swap3A_111 {strides = array<i32>} : memref<16x100x1xf32, #tpu.memory_space<vmem>>, vector<1x100x1xf32>,
    %slice3A_112 = vector.extract_strided_slice %transpose3A_36 {offsets = [0, 5], sizes = [100, 1], strides = [1, 1]} : vector<100x16xf32> to vector<100x1xf32>
    %swap3A_113 = arith.constant 5 : index
    %swap3A_114 = arith.constant 0 : index
    %swap3A_115 = arith.constant 0 : index
    %swap3A_116 = vector.load %arg9[%swap3A_113, %swap3A_114, %swap3A_115] : memref<16x100x1xf32, #tpu.memory_space<vmem>>, vector<1x100x1xf32>
    %swap3A_117 = vector.shape_cast %swap3A_116 : vector<1x100x1xf32> to vector<100x1xf32>
    %swap3A_118 = vector.shape_cast %slice3A_112 : vector<100x1xf32> to vector<1x100x1xf32>
    tpu.vector_store %arg9[%swap3A_113, %swap3A_114, %swap3A_115], %swap3A_118 {strides = array<i32>} : memref<16x100x1xf32, #tpu.memory_space<vmem>>, vector<1x100x1xf32>,
    %slice3A_119 = vector.extract_strided_slice %transpose3A {offsets = [0, 6], sizes = [100, 1], strides = [1, 1]} : vector<100x16xf32> to vector<100x1xf32>
    %swap3A_120 = arith.constant 6 : index
    %swap3A_121 = arith.constant 0 : index
    %swap3A_122 = arith.constant 0 : index
    %swap3A_123 = vector.load %arg8[%swap3A_120, %swap3A_121, %swap3A_122] : memref<16x100x1xf32, #tpu.memory_space<vmem>>, vector<1x100x1xf32>
    %swap3A_124 = vector.shape_cast %swap3A_123 : vector<1x100x1xf32> to vector<100x1xf32>
    %swap3A_125 = vector.shape_cast %slice3A_119 : vector<100x1xf32> to vector<1x100x1xf32>
    tpu.vector_store %arg8[%swap3A_120, %swap3A_121, %swap3A_122], %swap3A_125 {strides = array<i32>} : memref<16x100x1xf32, #tpu.memory_space<vmem>>, vector<1x100x1xf32>,
    %slice3A_126 = vector.extract_strided_slice %transpose3A_36 {offsets = [0, 6], sizes = [100, 1], strides = [1, 1]} : vector<100x16xf32> to vector<100x1xf32>
    %swap3A_127 = arith.constant 6 : index
    %swap3A_128 = arith.constant 0 : index
    %swap3A_129 = arith.constant 0 : index
    %swap3A_130 = vector.load %arg9[%swap3A_127, %swap3A_128, %swap3A_129] : memref<16x100x1xf32, #tpu.memory_space<vmem>>, vector<1x100x1xf32>
    %swap3A_131 = vector.shape_cast %swap3A_130 : vector<1x100x1xf32> to vector<100x1xf32>
    %swap3A_132 = vector.shape_cast %slice3A_126 : vector<100x1xf32> to vector<1x100x1xf32>
    tpu.vector_store %arg9[%swap3A_127, %swap3A_128, %swap3A_129], %swap3A_132 {strides = array<i32>} : memref<16x100x1xf32, #tpu.memory_space<vmem>>, vector<1x100x1xf32>,
    %slice3A_133 = vector.extract_strided_slice %transpose3A {offsets = [0, 7], sizes = [100, 1], strides = [1, 1]} : vector<100x16xf32> to vector<100x1xf32>
    %swap3A_134 = arith.constant 7 : index
    %swap3A_135 = arith.constant 0 : index
    %swap3A_136 = arith.constant 0 : index
    %swap3A_137 = vector.load %arg8[%swap3A_134, %swap3A_135, %swap3A_136] : memref<16x100x1xf32, #tpu.memory_space<vmem>>, vector<1x100x1xf32>
    %swap3A_138 = vector.shape_cast %swap3A_137 : vector<1x100x1xf32> to vector<100x1xf32>
    %swap3A_139 = vector.shape_cast %slice3A_133 : vector<100x1xf32> to vector<1x100x1xf32>
    tpu.vector_store %arg8[%swap3A_134, %swap3A_135, %swap3A_136], %swap3A_139 {strides = array<i32>} : memref<16x100x1xf32, #tpu.memory_space<vmem>>, vector<1x100x1xf32>,
    %slice3A_140 = vector.extract_strided_slice %transpose3A_36 {offsets = [0, 7], sizes = [100, 1], strides = [1, 1]} : vector<100x16xf32> to vector<100x1xf32>
    %swap3A_141 = arith.constant 7 : index
    %swap3A_142 = arith.constant 0 : index
    %swap3A_143 = arith.constant 0 : index
    %swap3A_144 = vector.load %arg9[%swap3A_141, %swap3A_142, %swap3A_143] : memref<16x100x1xf32, #tpu.memory_space<vmem>>, vector<1x100x1xf32>
    %swap3A_145 = vector.shape_cast %swap3A_144 : vector<1x100x1xf32> to vector<100x1xf32>
    %swap3A_146 = vector.shape_cast %slice3A_140 : vector<100x1xf32> to vector<1x100x1xf32>
    tpu.vector_store %arg9[%swap3A_141, %swap3A_142, %swap3A_143], %swap3A_146 {strides = array<i32>} : memref<16x100x1xf32, #tpu.memory_space<vmem>>, vector<1x100x1xf32>,
    %slice3A_147 = vector.extract_strided_slice %transpose3A {offsets = [0, 8], sizes = [100, 1], strides = [1, 1]} : vector<100x16xf32> to vector<100x1xf32>
    %swap3A_148 = arith.constant 8 : index
    %swap3A_149 = arith.constant 0 : index
    %swap3A_150 = arith.constant 0 : index
    %swap3A_151 = vector.load %arg8[%swap3A_148, %swap3A_149, %swap3A_150] : memref<16x100x1xf32, #tpu.memory_space<vmem>>, vector<1x100x1xf32>
    %swap3A_152 = vector.shape_cast %swap3A_151 : vector<1x100x1xf32> to vector<100x1xf32>
    %swap3A_153 = vector.shape_cast %slice3A_147 : vector<100x1xf32> to vector<1x100x1xf32>
    tpu.vector_store %arg8[%swap3A_148, %swap3A_149, %swap3A_150], %swap3A_153 {strides = array<i32>} : memref<16x100x1xf32, #tpu.memory_space<vmem>>, vector<1x100x1xf32>,
    %slice3A_154 = vector.extract_strided_slice %transpose3A_36 {offsets = [0, 8], sizes = [100, 1], strides = [1, 1]} : vector<100x16xf32> to vector<100x1xf32>
    %swap3A_155 = arith.constant 8 : index
    %swap3A_156 = arith.constant 0 : index
    %swap3A_157 = arith.constant 0 : index
    %swap3A_158 = vector.load %arg9[%swap3A_155, %swap3A_156, %swap3A_157] : memref<16x100x1xf32, #tpu.memory_space<vmem>>, vector<1x100x1xf32>
    %swap3A_159 = vector.shape_cast %swap3A_158 : vector<1x100x1xf32> to vector<100x1xf32>
    %swap3A_160 = vector.shape_cast %slice3A_154 : vector<100x1xf32> to vector<1x100x1xf32>
    tpu.vector_store %arg9[%swap3A_155, %swap3A_156, %swap3A_157], %swap3A_160 {strides = array<i32>} : memref<16x100x1xf32, #tpu.memory_space<vmem>>, vector<1x100x1xf32>,
    %slice3A_161 = vector.extract_strided_slice %transpose3A {offsets = [0, 9], sizes = [100, 1], strides = [1, 1]} : vector<100x16xf32> to vector<100x1xf32>
    %swap3A_162 = arith.constant 9 : index
    %swap3A_163 = arith.constant 0 : index
    %swap3A_164 = arith.constant 0 : index
    %swap3A_165 = vector.load %arg8[%swap3A_162, %swap3A_163, %swap3A_164] : memref<16x100x1xf32, #tpu.memory_space<vmem>>, vector<1x100x1xf32>
    %swap3A_166 = vector.shape_cast %swap3A_165 : vector<1x100x1xf32> to vector<100x1xf32>
    %swap3A_167 = vector.shape_cast %slice3A_161 : vector<100x1xf32> to vector<1x100x1xf32>
    tpu.vector_store %arg8[%swap3A_162, %swap3A_163, %swap3A_164], %swap3A_167 {strides = array<i32>} : memref<16x100x1xf32, #tpu.memory_space<vmem>>, vector<1x100x1xf32>,
    %slice3A_168 = vector.extract_strided_slice %transpose3A_36 {offsets = [0, 9], sizes = [100, 1], strides = [1, 1]} : vector<100x16xf32> to vector<100x1xf32>
    %swap3A_169 = arith.constant 9 : index
    %swap3A_170 = arith.constant 0 : index
    %swap3A_171 = arith.constant 0 : index
    %swap3A_172 = vector.load %arg9[%swap3A_169, %swap3A_170, %swap3A_171] : memref<16x100x1xf32, #tpu.memory_space<vmem>>, vector<1x100x1xf32>
    %swap3A_173 = vector.shape_cast %swap3A_172 : vector<1x100x1xf32> to vector<100x1xf32>
    %swap3A_174 = vector.shape_cast %slice3A_168 : vector<100x1xf32> to vector<1x100x1xf32>
    tpu.vector_store %arg9[%swap3A_169, %swap3A_170, %swap3A_171], %swap3A_174 {strides = array<i32>} : memref<16x100x1xf32, #tpu.memory_space<vmem>>, vector<1x100x1xf32>,
    %slice3A_175 = vector.extract_strided_slice %transpose3A {offsets = [0, 10], sizes = [100, 1], strides = [1, 1]} : vector<100x16xf32> to vector<100x1xf32>
    %swap3A_176 = arith.constant 10 : index
    %swap3A_177 = arith.constant 0 : index
    %swap3A_178 = arith.constant 0 : index
    %swap3A_179 = vector.load %arg8[%swap3A_176, %swap3A_177, %swap3A_178] : memref<16x100x1xf32, #tpu.memory_space<vmem>>, vector<1x100x1xf32>
    %swap3A_180 = vector.shape_cast %swap3A_179 : vector<1x100x1xf32> to vector<100x1xf32>
    %swap3A_181 = vector.shape_cast %slice3A_175 : vector<100x1xf32> to vector<1x100x1xf32>
    tpu.vector_store %arg8[%swap3A_176, %swap3A_177, %swap3A_178], %swap3A_181 {strides = array<i32>} : memref<16x100x1xf32, #tpu.memory_space<vmem>>, vector<1x100x1xf32>,
    %slice3A_182 = vector.extract_strided_slice %transpose3A_36 {offsets = [0, 10], sizes = [100, 1], strides = [1, 1]} : vector<100x16xf32> to vector<100x1xf32>
    %swap3A_183 = arith.constant 10 : index
    %swap3A_184 = arith.constant 0 : index
    %swap3A_185 = arith.constant 0 : index
    %swap3A_186 = vector.load %arg9[%swap3A_183, %swap3A_184, %swap3A_185] : memref<16x100x1xf32, #tpu.memory_space<vmem>>, vector<1x100x1xf32>
    %swap3A_187 = vector.shape_cast %swap3A_186 : vector<1x100x1xf32> to vector<100x1xf32>
    %swap3A_188 = vector.shape_cast %slice3A_182 : vector<100x1xf32> to vector<1x100x1xf32>
    tpu.vector_store %arg9[%swap3A_183, %swap3A_184, %swap3A_185], %swap3A_188 {strides = array<i32>} : memref<16x100x1xf32, #tpu.memory_space<vmem>>, vector<1x100x1xf32>,
    %slice3A_189 = vector.extract_strided_slice %transpose3A {offsets = [0, 11], sizes = [100, 1], strides = [1, 1]} : vector<100x16xf32> to vector<100x1xf32>
    %swap3A_190 = arith.constant 11 : index
    %swap3A_191 = arith.constant 0 : index
    %swap3A_192 = arith.constant 0 : index
    %swap3A_193 = vector.load %arg8[%swap3A_190, %swap3A_191, %swap3A_192] : memref<16x100x1xf32, #tpu.memory_space<vmem>>, vector<1x100x1xf32>
    %swap3A_194 = vector.shape_cast %swap3A_193 : vector<1x100x1xf32> to vector<100x1xf32>
    %swap3A_195 = vector.shape_cast %slice3A_189 : vector<100x1xf32> to vector<1x100x1xf32>
    tpu.vector_store %arg8[%swap3A_190, %swap3A_191, %swap3A_192], %swap3A_195 {strides = array<i32>} : memref<16x100x1xf32, #tpu.memory_space<vmem>>, vector<1x100x1xf32>,
    %slice3A_196 = vector.extract_strided_slice %transpose3A_36 {offsets = [0, 11], sizes = [100, 1], strides = [1, 1]} : vector<100x16xf32> to vector<100x1xf32>
    %swap3A_197 = arith.constant 11 : index
    %swap3A_198 = arith.constant 0 : index
    %swap3A_199 = arith.constant 0 : index
    %swap3A_200 = vector.load %arg9[%swap3A_197, %swap3A_198, %swap3A_199] : memref<16x100x1xf32, #tpu.memory_space<vmem>>, vector<1x100x1xf32>
    %swap3A_201 = vector.shape_cast %swap3A_200 : vector<1x100x1xf32> to vector<100x1xf32>
    %swap3A_202 = vector.shape_cast %slice3A_196 : vector<100x1xf32> to vector<1x100x1xf32>
    tpu.vector_store %arg9[%swap3A_197, %swap3A_198, %swap3A_199], %swap3A_202 {strides = array<i32>} : memref<16x100x1xf32, #tpu.memory_space<vmem>>, vector<1x100x1xf32>,
    %slice3A_203 = vector.extract_strided_slice %transpose3A {offsets = [0, 12], sizes = [100, 1], strides = [1, 1]} : vector<100x16xf32> to vector<100x1xf32>
    %swap3A_204 = arith.constant 12 : index
    %swap3A_205 = arith.constant 0 : index
    %swap3A_206 = arith.constant 0 : index
    %swap3A_207 = vector.load %arg8[%swap3A_204, %swap3A_205, %swap3A_206] : memref<16x100x1xf32, #tpu.memory_space<vmem>>, vector<1x100x1xf32>
    %swap3A_208 = vector.shape_cast %swap3A_207 : vector<1x100x1xf32> to vector<100x1xf32>
    %swap3A_209 = vector.shape_cast %slice3A_203 : vector<100x1xf32> to vector<1x100x1xf32>
    tpu.vector_store %arg8[%swap3A_204, %swap3A_205, %swap3A_206], %swap3A_209 {strides = array<i32>} : memref<16x100x1xf32, #tpu.memory_space<vmem>>, vector<1x100x1xf32>,
    %slice3A_210 = vector.extract_strided_slice %transpose3A_36 {offsets = [0, 12], sizes = [100, 1], strides = [1, 1]} : vector<100x16xf32> to vector<100x1xf32>
    %swap3A_211 = arith.constant 12 : index
    %swap3A_212 = arith.constant 0 : index
    %swap3A_213 = arith.constant 0 : index
    %swap3A_214 = vector.load %arg9[%swap3A_211, %swap3A_212, %swap3A_213] : memref<16x100x1xf32, #tpu.memory_space<vmem>>, vector<1x100x1xf32>
    %swap3A_215 = vector.shape_cast %swap3A_214 : vector<1x100x1xf32> to vector<100x1xf32>
    %swap3A_216 = vector.shape_cast %slice3A_210 : vector<100x1xf32> to vector<1x100x1xf32>
    tpu.vector_store %arg9[%swap3A_211, %swap3A_212, %swap3A_213], %swap3A_216 {strides = array<i32>} : memref<16x100x1xf32, #tpu.memory_space<vmem>>, vector<1x100x1xf32>,
    %slice3A_217 = vector.extract_strided_slice %transpose3A {offsets = [0, 13], sizes = [100, 1], strides = [1, 1]} : vector<100x16xf32> to vector<100x1xf32>
    %swap3A_218 = arith.constant 13 : index
    %swap3A_219 = arith.constant 0 : index
    %swap3A_220 = arith.constant 0 : index
    %swap3A_221 = vector.load %arg8[%swap3A_218, %swap3A_219, %swap3A_220] : memref<16x100x1xf32, #tpu.memory_space<vmem>>, vector<1x100x1xf32>
    %swap3A_222 = vector.shape_cast %swap3A_221 : vector<1x100x1xf32> to vector<100x1xf32>
    %swap3A_223 = vector.shape_cast %slice3A_217 : vector<100x1xf32> to vector<1x100x1xf32>
    tpu.vector_store %arg8[%swap3A_218, %swap3A_219, %swap3A_220], %swap3A_223 {strides = array<i32>} : memref<16x100x1xf32, #tpu.memory_space<vmem>>, vector<1x100x1xf32>,
    %slice3A_224 = vector.extract_strided_slice %transpose3A_36 {offsets = [0, 13], sizes = [100, 1], strides = [1, 1]} : vector<100x16xf32> to vector<100x1xf32>
    %swap3A_225 = arith.constant 13 : index
    %swap3A_226 = arith.constant 0 : index
    %swap3A_227 = arith.constant 0 : index
    %swap3A_228 = vector.load %arg9[%swap3A_225, %swap3A_226, %swap3A_227] : memref<16x100x1xf32, #tpu.memory_space<vmem>>, vector<1x100x1xf32>
    %swap3A_229 = vector.shape_cast %swap3A_228 : vector<1x100x1xf32> to vector<100x1xf32>
    %swap3A_230 = vector.shape_cast %slice3A_224 : vector<100x1xf32> to vector<1x100x1xf32>
    tpu.vector_store %arg9[%swap3A_225, %swap3A_226, %swap3A_227], %swap3A_230 {strides = array<i32>} : memref<16x100x1xf32, #tpu.memory_space<vmem>>, vector<1x100x1xf32>,
    %slice3A_231 = vector.extract_strided_slice %transpose3A {offsets = [0, 14], sizes = [100, 1], strides = [1, 1]} : vector<100x16xf32> to vector<100x1xf32>
    %swap3A_232 = arith.constant 14 : index
    %swap3A_233 = arith.constant 0 : index
    %swap3A_234 = arith.constant 0 : index
    %swap3A_235 = vector.load %arg8[%swap3A_232, %swap3A_233, %swap3A_234] : memref<16x100x1xf32, #tpu.memory_space<vmem>>, vector<1x100x1xf32>
    %swap3A_236 = vector.shape_cast %swap3A_235 : vector<1x100x1xf32> to vector<100x1xf32>
    %swap3A_237 = vector.shape_cast %slice3A_231 : vector<100x1xf32> to vector<1x100x1xf32>
    tpu.vector_store %arg8[%swap3A_232, %swap3A_233, %swap3A_234], %swap3A_237 {strides = array<i32>} : memref<16x100x1xf32, #tpu.memory_space<vmem>>, vector<1x100x1xf32>,
    %slice3A_238 = vector.extract_strided_slice %transpose3A_36 {offsets = [0, 14], sizes = [100, 1], strides = [1, 1]} : vector<100x16xf32> to vector<100x1xf32>
    %swap3A_239 = arith.constant 14 : index
    %swap3A_240 = arith.constant 0 : index
    %swap3A_241 = arith.constant 0 : index
    %swap3A_242 = vector.load %arg9[%swap3A_239, %swap3A_240, %swap3A_241] : memref<16x100x1xf32, #tpu.memory_space<vmem>>, vector<1x100x1xf32>
    %swap3A_243 = vector.shape_cast %swap3A_242 : vector<1x100x1xf32> to vector<100x1xf32>
    %swap3A_244 = vector.shape_cast %slice3A_238 : vector<100x1xf32> to vector<1x100x1xf32>
    tpu.vector_store %arg9[%swap3A_239, %swap3A_240, %swap3A_241], %swap3A_244 {strides = array<i32>} : memref<16x100x1xf32, #tpu.memory_space<vmem>>, vector<1x100x1xf32>,
    %slice3A_245 = vector.extract_strided_slice %transpose3A {offsets = [0, 15], sizes = [100, 1], strides = [1, 1]} : vector<100x16xf32> to vector<100x1xf32>
    %swap3A_246 = arith.constant 15 : index
    %swap3A_247 = arith.constant 0 : index
    %swap3A_248 = arith.constant 0 : index
    %swap3A_249 = vector.load %arg8[%swap3A_246, %swap3A_247, %swap3A_248] : memref<16x100x1xf32, #tpu.memory_space<vmem>>, vector<1x100x1xf32>
    %swap3A_250 = vector.shape_cast %swap3A_249 : vector<1x100x1xf32> to vector<100x1xf32>
    %swap3A_251 = vector.shape_cast %slice3A_245 : vector<100x1xf32> to vector<1x100x1xf32>
    tpu.vector_store %arg8[%swap3A_246, %swap3A_247, %swap3A_248], %swap3A_251 {strides = array<i32>} : memref<16x100x1xf32, #tpu.memory_space<vmem>>, vector<1x100x1xf32>,
    %slice3A_252 = vector.extract_strided_slice %transpose3A_36 {offsets = [0, 15], sizes = [100, 1], strides = [1, 1]} : vector<100x16xf32> to vector<100x1xf32>
    %swap3A_253 = arith.constant 15 : index
    %swap3A_254 = arith.constant 0 : index
    %swap3A_255 = arith.constant 0 : index
    %swap3A_256 = vector.load %arg9[%swap3A_253, %swap3A_254, %swap3A_255] : memref<16x100x1xf32, #tpu.memory_space<vmem>>, vector<1x100x1xf32>
    %swap3A_257 = vector.shape_cast %swap3A_256 : vector<1x100x1xf32> to vector<100x1xf32>
    %swap3A_258 = vector.shape_cast %slice3A_252 : vector<100x1xf32> to vector<1x100x1xf32>
    tpu.vector_store %arg9[%swap3A_253, %swap3A_254, %swap3A_255], %swap3A_258 {strides = array<i32>} : memref<16x100x1xf32, #tpu.memory_space<vmem>>, vector<1x100x1xf32>,
    %get3A_259 = arith.constant 0 : index
    %get3A_260 = arith.constant 0 : index
    %get3A_261 = vector.load %arg0[%get3A_259, %get3A_260] : memref<16x256xi32, #tpu.memory_space<vmem>>, vector<16x256xi32>
    %ne3A = arith.constant 0 : i32
    %ne3A_262 = vector.broadcast %ne3A : i32 to vector<16x256xi32>
    %ne3A_263 = arith.cmpi ne, %get3A_261, %ne3A_262 : vector<16x256xi32>
    %convert_element_type3A = arith.extui %ne3A_263 : vector<16x256xi1> to vector<16x256xi32>
    %convert_element_type3A_264 = arith.sitofp %convert_element_type3A : vector<16x256xi32> to vector<16x256xf32>
    %iota3A = tpu.iota {dimensions = array<i32: 0>} : vector<256x256xi32>
    %iota3A_265 = tpu.iota {dimensions = array<i32: 1>} : vector<256x256xi32>
    %le3A = arith.cmpi sle, %iota3A, %iota3A_265 : vector<256x256xi32>
    %convert_element_type3A_266 = arith.extui %le3A : vector<256x256xi1> to vector<256x256xi32>
    %convert_element_type3A_267 = arith.sitofp %convert_element_type3A_266 : vector<256x256xi32> to vector<256x256xf32>
    %dot_general3A_268 = arith.constant dense<0.000000e+00> : vector<16x256xf32>
    %dot_general3A_269 = tpu.matmul %convert_element_type3A_264, %convert_element_type3A_267, %dot_general3A_268 {dimension_numbers = #tpu.dot_dimension_numbers<[1], [0], [0], [1], [0, 0, 1, 1], [], []>, transpose_lhs_hint = false} : vector<16x256xf32>, vector<256x256xf32>, vector<16x256xf32> -> vector<16x256xf32>
    %sub3A = arith.constant 1.000000e+00 : f32
    %sub3A_270 = vector.broadcast %sub3A : f32 to vector<16x256xf32>
    %sub3A_271 = arith.subf %dot_general3A_269, %sub3A_270 : vector<16x256xf32>
    %jit3A = arith.constant 0.000000e+00 : f32
    %jit3A_272 = arith.constant 2.550000e+02 : f32
    %max3A = vector.broadcast %jit3A : f32 to vector<16x256xf32>
    %max3A_273 = arith.maximumf %max3A, %sub3A_271 : vector<16x256xf32>
    %min3A = vector.broadcast %jit3A_272 : f32 to vector<16x256xf32>
    %min3A_274 = arith.minimumf %min3A, %max3A_273 : vector<16x256xf32>
    %iota3A_275 = tpu.iota {dimensions = array<i32: 0>} : vector<16x256xi32>
    %convert_element_type3A_276 = arith.sitofp %iota3A_275 : vector<16x256xi32> to vector<16x256xf32>
    %mul3A_277 = arith.constant 2.560000e+02 : f32
    %mul3A_278 = vector.broadcast %mul3A_277 : f32 to vector<16x256xf32>
    %mul3A_279 = arith.mulf %convert_element_type3A_276, %mul3A_278 : vector<16x256xf32>
    %add3A_280 = arith.addf %min3A_274, %mul3A_279 : vector<16x256xf32>
    %jit3A_281 = arith.constant 4.096000e+03 : f32
    %broadcast_in_dim3A = vector.broadcast %jit3A_281 : f32 to vector<16x256xf32>
    %select_n3A = arith.select %ne3A_263, %add3A_280, %broadcast_in_dim3A : vector<16x256xi1>, vector<16x256xf32>
    %convert_element_type3A_282 = arith.fptosi %select_n3A : vector<16x256xf32> to vector<16x256xi32>
    %swap3A_283 = arith.constant 0 : index
    %swap3A_284 = arith.constant 0 : index
    %swap3A_285 = vector.load %arg10[%swap3A_283, %swap3A_284] : memref<16x256xi32, #tpu.memory_space<vmem>>, vector<16x256xi32>
    tpu.vector_store %arg10[%swap3A_283, %swap3A_284], %convert_element_type3A_282 {strides = array<i32>} : memref<16x256xi32, #tpu.memory_space<vmem>>, vector<16x256xi32>,
    return
  }
}

</mosaic_0001>

<sc_bundles>
// kernel: _run.5.cloned.1.call-start
scs
__scs_entry_jumppad:
0x0: {  	(pc) =	sbr.rel $0x88, $3  }
0x1: {  	(tag) =	ssettag $0x0;
	lr =	simm.s32 $0x1  }
0x2: {  	[smem:$0x3F95] =	sst lr;
	_ =	strace $0xD0000000  }
0x3: {  	_ = 	snop  }
0x4: {  	_ = 	snop  }
0x5: {  	_ = 	snop  }
0x6: {  	_ = 	snop  }
0x7: {  	_ = 	snop  }
__scs_overlays_trampoline_lowered:
0x8: {  	[smem:$0x3FA4] =	sst s0  }
0x9: {  	[smem:$0x3FA5] =	sst s1  }
0xa: {  	[smem:$0x3FA6] =	sst s2  }
0xb: {  	[smem:$0x3FA7] =	sst s3  }
0xc: {  	[smem:$0x3FA8] =	sst s4  }
0xd: {  	[smem:$0x3FA9] =	sst s5  }
0xe: {  	[smem:$0x3FAA] =	sst s6  }
0xf: {  	[smem:$0x3FAB] =	sst s7  }
0x10: {  	[smem:$0x3FAC] =	sst s8  }
0x11: {  	[smem:$0x3FAD] =	sst s9;
	s0 =	simm.s32 @!p0 $0x0  }
0x12: {  	s1 =	sld [smem:$0x3F93];
	s0 =	simm.s32 @p0 $0x1  }
0x13: {  	[smem:$0x3FAE] =	sst s0;
	s0 =	simm.s32 @!p1 $0x0  }
0x14: {  	s2 =	sld [smem:$0x3F92];
	s0 =	simm.s32 @p1 $0x1  }
0x15: {  	[smem:$0x3FAF] =	sst s0;
	s0 =	simm.s32 @!p2 $0x0  }
0x16: {  	s3 =	sld [smem:$0x3FDB];
	s0 =	simm.s32 @p2 $0x1  }
0x17: {  	s4 =	simm.s32 $0x1BF5;
	[smem:$0x3FB1] =	sst s0  }
0x18: {  	s0 =	sld [smem:$0x3F94];
	_ =	swait.ge [sflag:s4], $0x0  }
0x19: {  	s7 =	sld [smem:$0x3F95]  }
0x1a: {  	s8 =	sadd.s32 $0xFFFFE003, lr  }
0x1b: {  	s9 =	sadd.s32 $0xFFFFFEF7, lr;
	s5 =	simm.s32 $0xFFFFFFFF;
	p2 =	slt.u32 s8, $0xFFFFF086  }
0x1c: {  	p1 =	slt.u32 s9, $0xF7A;
	s5 =	simm.s32 @!p2 $0x0  }
0x1d: {  	s5 =	simm.s32 @p1 $0x1;
	p0 =	seq.s32 s7, s2  }
0x1e: {  	s7 =	smul.u32 @!p0 $0xF7A, s2;
	p2 =	seq.s32 @!p0 s5, $0x0  }
0x1f: {  	s9 =	smul.u32 $0xF7A, s1;
	s8 =	simm.s32 @!p0 $0x1BF5;
	p2 =	por !p2, p0  }
0x20: {  	[sflag:s8] =	ssyncset.s32 @!p0 $0xFFFFF086;
	s6 =	sadd.s32 @!p0 s3, s7;
	s7 =	simm.s32 @!p0 $0x108  }
0x21: {  	s3 =	sadd.s32 s3, s9;
	s6 =	sadd.s32 @!p0 $0x88, s6;
	s7 =	simm.s32 @p2 $0x1082  }
0x22: {  	[simem:s7], [sflag:s8] =	dma.local @!p0 [hbm:s6], $0xF7A  }
0x23: {  	s9 =	sor.u32 $0xD0000000, s2;
	s6 =	simm.s32 $0x108;
	_ =	swait.ge @!p0 [sflag:s8], $0x0  }
0x24: {  	s3 =	sadd.s32 $0x88, s3;
	s6 =	simm.s32 @!p1 $0x1082;
	[sflag:s4] =	ssyncset.s32 $0xFFFFF086  }
0x25: {  	[simem:s6], [sflag:s4] =	dma.local [hbm:s3], $0xF7A  }
0x26: {  	[smem:$0x3F95] =	sst s1;
	(tag) =	ssettag s2;
	_ =	strace s9  }
0x27: {  	s1 =	sld [smem:$0x3FA5]  }
0x28: {  	s2 =	sld [smem:$0x3FA6]  }
0x29: {  	s4 =	sld [smem:$0x3FA8]  }
0x2a: {  	p0 =	seq.s32 s5, $0x0;
	s5 =	sld [smem:$0x3FA9]  }
0x2b: {  	s6 =	sld [smem:$0x3FAA]  }
0x2c: {  	s7 =	sld [smem:$0x3FAB]  }
0x2d: {  	s3 =	simm.s32 $0x108;
	s8 =	sld [smem:$0x3FAC]  }
0x2e: {  	s3 =	simm.s32 @!p0 $0x1082;
	s9 =	sld [smem:$0x3FAD]  }
0x2f: {  	lr =	sadd.s32 s0, s3;
	s0 =	sld [smem:$0x3FA4]  }
0x30: {  	s3 =	sld [smem:$0x3FA7]  }
0x31: {  	[smem:$0x3FB0] =	sst s10  }
0x32: {  	s10 =	sld [smem:$0x3FAE];
	_ =	sdelay $0x3  }
0x33: {  	p0 =	seq.s32 s10, $0x1;
	s10 =	sld [smem:$0x3FB0];
	_ =	sdelay $0x3  }
0x34: {  	[smem:$0x3FB0] =	sst s10  }
0x35: {  	s10 =	sld [smem:$0x3FAF];
	_ =	sdelay $0x3  }
0x36: {  	p1 =	seq.s32 s10, $0x1;
	s10 =	sld [smem:$0x3FB0];
	_ =	sdelay $0x3  }
0x37: {  	[smem:$0x3FB0] =	sst s10  }
0x38: {  	s10 =	sld [smem:$0x3FB1]  }
0x39: {  	_ = 	snop;
	(pc) =	sbr.ind lr, $3  }
0x3a: {  	_ = 	snop  }
0x3b: {  	_ = 	snop  }
0x3c: {  	p2 =	seq.s32 s10, $0x1;
	s10 =	sld [smem:$0x3FB0]  }
0x3d: {  	_ =	shalt  }
0x3e: {  	_ =	shalt  }
0x3f: {  	_ =	shalt  }
0x40: {  	_ =	shalt  }
0x41: {  	_ =	shalt  }
0x42: {  	_ =	shalt  }
0x43: {  	_ =	shalt  }
0x44: {  	_ =	shalt  }
0x45: {  	_ =	shalt  }
0x46: {  	_ =	shalt  }
0x47: {  	_ =	shalt  }
0x48: {  	_ =	shalt  }
0x49: {  	_ =	shalt  }
0x4a: {  	_ =	shalt  }
0x4b: {  	_ =	shalt  }
0x4c: {  	_ =	shalt  }
0x4d: {  	_ =	shalt  }
0x4e: {  	_ =	shalt  }
0x4f: {  	_ =	shalt  }
0x50: {  	_ =	shalt  }
0x51: {  	_ =	shalt  }
0x52: {  	_ =	shalt  }
0x53: {  	_ =	shalt  }
0x54: {  	_ =	shalt  }
0x55: {  	_ =	shalt  }
0x56: {  	_ =	shalt  }
0x57: {  	_ =	shalt  }
0x58: {  	_ =	shalt  }
0x59: {  	_ =	shalt  }
0x5a: {  	_ =	shalt  }
0x5b: {  	_ =	shalt  }
0x5c: {  	_ =	shalt  }
0x5d: {  	_ =	shalt  }
0x5e: {  	_ =	shalt  }
0x5f: {  	_ =	shalt  }
0x60: {  	_ =	shalt  }
0x61: {  	_ =	shalt  }
0x62: {  	_ =	shalt  }
0x63: {  	_ =	shalt  }
0x64: {  	_ =	shalt  }
0x65: {  	_ =	shalt  }
0x66: {  	_ =	shalt  }
0x67: {  	_ =	shalt  }
0x68: {  	_ =	shalt  }
0x69: {  	_ =	shalt  }
0x6a: {  	_ =	shalt  }
0x6b: {  	_ =	shalt  }
0x6c: {  	_ =	shalt  }
0x6d: {  	_ =	shalt  }
0x6e: {  	_ =	shalt  }
0x6f: {  	_ =	shalt  }
0x70: {  	_ =	shalt  }
0x71: {  	_ =	shalt  }
0x72: {  	_ =	shalt  }
0x73: {  	_ =	shalt  }
0x74: {  	_ =	shalt  }
0x75: {  	_ =	shalt  }
0x76: {  	_ =	shalt  }
0x77: {  	_ =	shalt  }
0x78: {  	_ =	shalt  }
0x79: {  	_ =	shalt  }
0x7a: {  	_ =	shalt  }
0x7b: {  	_ =	shalt  }
0x7c: {  	_ =	shalt  }
0x7d: {  	_ =	shalt  }
0x7e: {  	_ =	shalt  }
0x7f: {  	_ =	shalt  }
0x80: {  	_ =	shalt  }
0x81: {  	_ =	shalt  }
0x82: {  	_ =	shalt  }
0x83: {  	_ =	shalt  }
0x84: {  	_ =	shalt  }
0x85: {  	_ =	shalt  }
0x86: {  	_ =	shalt  }
0x87: {  	_ =	shalt  }
.Lfunc_end0:
.L_simem_size_0:
called_computation_lowered:
.L_overlay_start_0:
0x88: {  	s2 =	sld [smem:$0x3FD9]  }
0x89: {  	s3 =	sld [smem:$0x3FFE];
	_ =	sdelay $0x1  }
0x8a: {  	s1 =	srdreg.scid  }
0x8b: {  	s0 =	sand.u32 $0x1, s1  }
0x8c: {  	s17 =	sshll.u32 s0, $0xA;
	s2 =	sadd.s32 s3, s2  }
0x8d: {  	s2 =	sadd.s32 s2, s17  }
0x8e: {  	[smem:$0x3FBC] =	sst s2  }
0x8f: {  	_ = 	snop  }
0x90: {  	s2 =	sld [smem:$0x3FD0];
	(tm) =	ssettm $0x1  }
0x91: {  	s18 =	sld [smem:$0x3FFB];
	_ =	sdelay $0x3  }
0x92: {  	_ =	strace s18  }
0x93: {  	s3 =	sld [smem:$0x3FFC];
	_ =	sdelay $0x3  }
0x94: {  	_ =	strace s3  }
0x95: {  	s3 =	sld [smem:$0x3FFD];
	_ =	sdelay $0x3  }
0x96: {  	_ =	strace s3  }
0x97: {  	_ =	strace $0x8FFFFFFF  }
0x98: {  	s19 =	sld [smem:$0x3FDB];
	_ =	sdelay $0x1  }
0x99: {  	s4 =	simm.s32 $_scs_section_size  }
0x9a: {  	s5 =	simm.s32 $_size__tile_overlayer_lowered;
	s6 =	simm.s32 $_tile_overlayer_lowered  }
0x9b: {  	s22 =	simm.s32 $0x1BFF;
	s21 =	sshll.u32 s6, $0x1;
	s3 =	sadd.s32 s4, s19  }
0x9c: {  	s7 =	simm.s32 $0x0;
	s20 =	sshll.u32 s5, $0x1;
	s5 =	sadd.s32 s21, s3  }
0x9d: {  	[timem:s7], [sflag:s22] =	dma.local [hbm:s5], s20  }
0x9e: {  	_ =	swait.ge [sflag:s22], s20  }
0x9f: {  	s4 =	ssub.s32 $0x0, s20;
	[sflag:s22] =	ssyncset.done $0x0  }
0xa0: {  	[sflag:s22] =	ssyncadd.s32 s4;
	_ =	sdelay $0x1  }
0xa1: {  	s23 =	simm.s32 $0x1B8B  }
0xa2: {  	_ =	swait.ge [sflag:s23], $0x1  }
0xa3: {  	[sflag:s23] =	ssyncset.done $0x0  }
0xa4: {  	s25 =	simm.s32 $0x1B8E;
	s24 =	sld [smem:$0x3FFE];
	[sflag:s23] =	ssyncadd.s32 $0xFFFFFFFF  }
0xa5: {  	s26 =	simm.s32 $execute0_lowered;
	[smem:$0x3FD2] =	sst s25  }
0xa6: {  	s5 =	sshll.u32 s26, $0x1;
	_ =	strace $0x80000046;
	[dreg:$0x1] =	wrdreg $0xFFFFFFFF  }
0xa7: {  	s28 =	simm.s32 $_size_execute0_lowered;
	s3 =	sadd.s32 s3, s5;
	[dreg:$0x0] =	wrdreg $0x0  }
0xa8: {  	s5 =	sshll.u32 s28, $0x1;
	[dreg:$0x2] =	wrdreg s3  }
0xa9: {  	[dreg:$0x3] =	wrdreg s5  }
0xaa: {  	[dreg:$0x4] =	wrdreg $0xC0  }
0xab: {  	_ =	task [dreg:s7], $0x5FFFF  }
0xac: {  	[dreg:$0x1] =	wrdreg $0xFFFFFFFF  }
0xad: {  	[dreg:$0x0] =	wrdreg $0x60  }
0xae: {  	[dreg:$0x2] =	wrdreg s24  }
0xaf: {  	[dreg:$0x3] =	wrdreg s2  }
0xb0: {  	[dreg:$0x4] =	wrdreg $0x9  }
0xb1: {  	_ =	task.clear_ibuf [dreg:s7], $0x5FFFF;
	_ =	strace $0x90000046  }
0xb2: {  	s29 =	simm.s32 $0x9;
	_ =	strace $0x8000004D  }
0xb3: {  	_ =	swait.ge [sflag:s29], $0x1  }
0xb4: {  	[sflag:s29] =	ssyncadd.s32 $0xFFFFFFFF  }
0xb5: {  	_ =	strace $0x9000004D  }
0xb6: {  	_ =	sfence  }
0xb7: {  	s30 =	sld [smem:$0x0];
	_ =	sdelay $0x2  }
0xb8: {  	s31 =	sshll.u32 s1, $0xD;
	s1 =	sshrl.u32 s1, $0x2  }
0xb9: {  	s3 =	sand.u32 $0x4000, s31;
	s1 =	sadd.s32 s1, s30  }
0xba: {  	s0 =	sor.u32 s3, s0;
	s1 =	sshll.u32 s1, $0x11  }
0xbb: {  	s0 =	sor.u32 s1, s0  }
0xbc: {  	s0 =	sadd.s32 $0x8F2B, s0  }
0xbd: {  	[sflag:s0] =	ssyncadd.remote.s32 $0x1  }
0xbe: {  	_ =	sfence.sel $0xFFFF  }
0xbf: {  	[dreg:$0x0] =	wrdreg $0xFFFFFFFF;
	(pc) =	sbr.abs _section_cstart, $3  }
0xc0: {  	[dreg:$0x1] =	wrdreg $0xFFFFFFFF  }
0xc1: {  	_ =	task.clear_ibuf [dreg:s7], $0x2FFFF;
	_ =	strace $0x9FFFFFFF  }
0xc2: {  	(tm) =	ssettm $0x7FFFFFFF  }
0xc3: {  	_ =	shalt  }
tec
execute0_lowered:
.L_overlay_start_1:
0x0: {  	(tag) =	ssettag $0x1  }
0x1: {  	s4 =	rddreg [dreg:$0x0]  }
0x2: {  	s5 =	rddreg [dreg:$0x1]  }
0x3: {  	s0 =	rddreg [dreg:$0x2];
	s2 =	simm.s32 $0x0;
	s3 =	srdreg.scid  }
0x4: {  	s1 =	stileid.u32;
	s10 =	simm.s32 $0x1100;
	s11 =	simm.s32 $0x1900  }
0x5: {  	s12 =	simm.s32 $0x2100;
	s13 =	simm.s32 $0x2900;
	s14 =	simm.s32 $0x3100  }
0x6: {  	s15 =	simm.s32 $0x3900;
	s16 =	simm.s32 $0x4100;
	s17 =	simm.s32 $0x4900  }
0x7: {  	s18 =	simm.s32 $0x5100;
	s19 =	simm.s32 $0x5900;
	s20 =	simm.s32 $0x6100  }
0x8: {  	s21 =	simm.s32 $0x6900;
	s22 =	simm.s32 $0x7100;
	s23 =	simm.s32 $0x7900  }
0x9: {  	s24 =	simm.s32 $0x5;
	s25 =	simm.s32 $0x3;
	s6 =	sand.u32 $0x1, s3  }
0xa: {  	[smem:$0x7FF] =	sst s2;
	s8 =	sshll.u32 s1, $0x7;
	s7 =	sshll.u32 s6, $0xB  }
0xb: {  	s3 =	sadd.s32 $0x1800, s4;
	s6 =	ssub.s32 $0x2, s6;
	s7 =	sor.u32 s8, s7  }
0xc: {  	_ =	strace $0x80000047;
	s9 =	sshrl.u32 s6, $0x1;
	s8 =	sshll.u32 s7, $0x5  }
0xd: {  	v2 =	vlaneseq.u32;
	s7 =	sshrl.u32 s7, $0x3;
	s6 =	ssub.s32 s6, s9;
	s9 =	simm.s32 $0x900  }
0xe: {  	vm0 =	vmmov $0xffff;
	v1 =	vshrl.u32 v2, $0x3;
	s8 =	sadd.s32 s8, s4;
	s4 =	sadd.s32 s5, s7;
	s6 =	smax.u32 s6, $0x1  }
0xf: {  	v0 =	vand.u32 $0x7, v2;
	v2 =	vor.u32 $0x8, v2;
	v1 =	vmul.u32 $0x8, v1;
	s7 =	simm.s32 $0x1;
	s5 =	sadd.s32 $0x23800, s8;
	s8 =	simm.s32 $0x100  }
.LBB2_1:
0x10: {  	_ =	strace $0x80000048  }
0x11: {  	[tilespmem:s2], [sflag:$0x1] =	stream.linear.gather [hbm4b:s4+s2], $0x80, $0x200038;
	[tilespmem:$0x10100] =	vst v63  }
0x12: {  	_ =	strace $0x90000048  }
0x13: {  	_ =	strace $0x80000049  }
0x14: {  	_ =	swait.ge [sflag:s7], $0x80  }
0x15: {  	[sflag:s7] =	ssyncset.done $0x0  }
0x16: {  	[sflag:s7] =	ssyncadd.s32 $0xFFFFFF80  }
0x17: {  	_ =	strace $0x90000049  }
0x18: {  	_ =	strace $0x8000004A  }
0x19: {  	v3 =	vld [tilespmem:$0x0];
	_ =	sdelay $0x4  }
0x1a: {  	v4 =	vshll.u32 v3, $0x1  }
0x1b: {  	v3 =	vand.u32 $0x7, v3;
	v4 =	vand.u32 $0xFFFFFFF0, v4  }
0x1c: {  	v3 =	vor.u32 v3, v4  }
0x1d: {  	v4 =	vperm.xlane v3, v0;
	_ =	sdelay $0x1  }
0x1e: {  	v3 =	vperm.xlane v3, v2;
	v4 =	vadd.s32 v1, v4;
	_ =	sdelay $0x1  }
0x1f: {  	v3 =	vadd.s32 v1, v3;
	_ =	sdelay $0x2  }
0x20: {  	[tilespmem:s8], [sflag:$0x5] =	stream.indirect_vreg.gather [hbm4b:s3+s2], $0x80, v4, vm0, $0x2000b8;
	[tilespmem:$0x10100] =	vst v63  }
0x21: {  	_ = 	snop  }
0x22: {  	[tilespmem:s9], [sflag:$0x5] =	stream.indirect_vreg.gather [hbm4b:s3+s2], $0x80, v3, vm0, $0x2000b8;
	[tilespmem:$0x10100] =	vst v63  }
0x23: {  	v3 =	vld [tilespmem:$0x10];
	_ =	sdelay $0x4  }
0x24: {  	v57 =	vshll.u32 v3, $0x1  }
0x25: {  	v3 =	vand.u32 $0x7, v3;
	v4 =	vand.u32 $0xFFFFFFF0, v57  }
0x26: {  	v3 =	vor.u32 v3, v4  }
0x27: {  	v4 =	vperm.xlane v3, v0;
	_ =	sdelay $0x1  }
0x28: {  	v3 =	vperm.xlane v3, v2;
	v4 =	vadd.s32 v1, v4;
	_ =	sdelay $0x1  }
0x29: {  	v3 =	vadd.s32 v1, v3;
	_ =	sdelay $0x2  }
0x2a: {  	[tilespmem:s10], [sflag:$0x5] =	stream.indirect_vreg.gather [hbm4b:s3+s2], $0x80, v4, vm0, $0x2000b8;
	[tilespmem:$0x10100] =	vst v63  }
0x2b: {  	_ = 	snop  }
0x2c: {  	[tilespmem:s11], [sflag:$0x5] =	stream.indirect_vreg.gather [hbm4b:s3+s2], $0x80, v3, vm0, $0x2000b8;
	[tilespmem:$0x10100] =	vst v63  }
0x2d: {  	v3 =	vld [tilespmem:$0x20];
	_ =	sdelay $0x4  }
0x2e: {  	v58 =	vshll.u32 v3, $0x1  }
0x2f: {  	v3 =	vand.u32 $0x7, v3;
	v4 =	vand.u32 $0xFFFFFFF0, v58  }
0x30: {  	v3 =	vor.u32 v3, v4  }
0x31: {  	v4 =	vperm.xlane v3, v0;
	_ =	sdelay $0x1  }
0x32: {  	v3 =	vperm.xlane v3, v2;
	v4 =	vadd.s32 v1, v4;
	_ =	sdelay $0x1  }
0x33: {  	v3 =	vadd.s32 v1, v3;
	_ =	sdelay $0x2  }
0x34: {  	[tilespmem:s12], [sflag:$0x5] =	stream.indirect_vreg.gather [hbm4b:s3+s2], $0x80, v4, vm0, $0x2000b8;
	[tilespmem:$0x10100] =	vst v63  }
0x35: {  	_ = 	snop  }
0x36: {  	[tilespmem:s13], [sflag:$0x5] =	stream.indirect_vreg.gather [hbm4b:s3+s2], $0x80, v3, vm0, $0x2000b8;
	[tilespmem:$0x10100] =	vst v63  }
0x37: {  	v3 =	vld [tilespmem:$0x30];
	_ =	sdelay $0x4  }
0x38: {  	v59 =	vshll.u32 v3, $0x1  }
0x39: {  	v3 =	vand.u32 $0x7, v3;
	v4 =	vand.u32 $0xFFFFFFF0, v59  }
0x3a: {  	v3 =	vor.u32 v3, v4  }
0x3b: {  	v4 =	vperm.xlane v3, v0;
	_ =	sdelay $0x1  }
0x3c: {  	v3 =	vperm.xlane v3, v2;
	v4 =	vadd.s32 v1, v4;
	_ =	sdelay $0x1  }
0x3d: {  	v3 =	vadd.s32 v1, v3;
	_ =	sdelay $0x2  }
0x3e: {  	[tilespmem:s14], [sflag:$0x5] =	stream.indirect_vreg.gather [hbm4b:s3+s2], $0x80, v4, vm0, $0x2000b8;
	[tilespmem:$0x10100] =	vst v63  }
0x3f: {  	_ = 	snop  }
0x40: {  	[tilespmem:s15], [sflag:$0x5] =	stream.indirect_vreg.gather [hbm4b:s3+s2], $0x80, v3, vm0, $0x2000b8;
	[tilespmem:$0x10100] =	vst v63  }
0x41: {  	v3 =	vld [tilespmem:$0x40];
	_ =	sdelay $0x4  }
0x42: {  	v60 =	vshll.u32 v3, $0x1  }
0x43: {  	v3 =	vand.u32 $0x7, v3;
	v4 =	vand.u32 $0xFFFFFFF0, v60  }
0x44: {  	v3 =	vor.u32 v3, v4  }
0x45: {  	v4 =	vperm.xlane v3, v0;
	_ =	sdelay $0x1  }
0x46: {  	v3 =	vperm.xlane v3, v2;
	v4 =	vadd.s32 v1, v4;
	_ =	sdelay $0x1  }
0x47: {  	v3 =	vadd.s32 v1, v3;
	_ =	sdelay $0x2  }
0x48: {  	[tilespmem:s16], [sflag:$0x5] =	stream.indirect_vreg.gather [hbm4b:s3+s2], $0x80, v4, vm0, $0x2000b8;
	[tilespmem:$0x10100] =	vst v63  }
0x49: {  	_ = 	snop  }
0x4a: {  	[tilespmem:s17], [sflag:$0x5] =	stream.indirect_vreg.gather [hbm4b:s3+s2], $0x80, v3, vm0, $0x2000b8;
	[tilespmem:$0x10100] =	vst v63  }
0x4b: {  	v3 =	vld [tilespmem:$0x50];
	_ =	sdelay $0x4  }
0x4c: {  	v61 =	vshll.u32 v3, $0x1  }
0x4d: {  	v3 =	vand.u32 $0x7, v3;
	v4 =	vand.u32 $0xFFFFFFF0, v61  }
0x4e: {  	v3 =	vor.u32 v3, v4  }
0x4f: {  	v4 =	vperm.xlane v3, v0;
	_ =	sdelay $0x1  }
0x50: {  	v3 =	vperm.xlane v3, v2;
	v4 =	vadd.s32 v1, v4;
	_ =	sdelay $0x1  }
0x51: {  	v3 =	vadd.s32 v1, v3;
	_ =	sdelay $0x2  }
0x52: {  	[tilespmem:s18], [sflag:$0x5] =	stream.indirect_vreg.gather [hbm4b:s3+s2], $0x80, v4, vm0, $0x2000b8;
	[tilespmem:$0x10100] =	vst v63  }
0x53: {  	_ = 	snop  }
0x54: {  	[tilespmem:s19], [sflag:$0x5] =	stream.indirect_vreg.gather [hbm4b:s3+s2], $0x80, v3, vm0, $0x2000b8;
	[tilespmem:$0x10100] =	vst v63  }
0x55: {  	v3 =	vld [tilespmem:$0x60];
	_ =	sdelay $0x4  }
0x56: {  	v62 =	vshll.u32 v3, $0x1  }
0x57: {  	v3 =	vand.u32 $0x7, v3;
	v4 =	vand.u32 $0xFFFFFFF0, v62  }
0x58: {  	v3 =	vor.u32 v3, v4  }
0x59: {  	v4 =	vperm.xlane v3, v0;
	_ =	sdelay $0x1  }
0x5a: {  	v3 =	vperm.xlane v3, v2;
	v4 =	vadd.s32 v1, v4;
	_ =	sdelay $0x1  }
0x5b: {  	v3 =	vadd.s32 v1, v3;
	_ =	sdelay $0x2  }
0x5c: {  	[tilespmem:s20], [sflag:$0x5] =	stream.indirect_vreg.gather [hbm4b:s3+s2], $0x80, v4, vm0, $0x2000b8;
	[tilespmem:$0x10100] =	vst v63  }
0x5d: {  	_ = 	snop  }
0x5e: {  	[tilespmem:s21], [sflag:$0x5] =	stream.indirect_vreg.gather [hbm4b:s3+s2], $0x80, v3, vm0, $0x2000b8;
	[tilespmem:$0x10100] =	vst v63  }
0x5f: {  	v3 =	vld [tilespmem:$0x70];
	_ =	sdelay $0x4  }
0x60: {  	v63 =	vshll.u32 v3, $0x1  }
0x61: {  	v3 =	vand.u32 $0x7, v3;
	v4 =	vand.u32 $0xFFFFFFF0, v63  }
0x62: {  	v3 =	vor.u32 v3, v4  }
0x63: {  	v4 =	vperm.xlane v3, v0;
	_ =	sdelay $0x1  }
0x64: {  	v3 =	vperm.xlane v3, v2;
	v4 =	vadd.s32 v1, v4;
	_ =	sdelay $0x1  }
0x65: {  	v3 =	vadd.s32 v1, v3;
	_ =	sdelay $0x2  }
0x66: {  	[tilespmem:s22], [sflag:$0x5] =	stream.indirect_vreg.gather [hbm4b:s3+s2], $0x80, v4, vm0, $0x2000b8;
	[tilespmem:$0x10100] =	vst v63  }
0x67: {  	_ = 	snop  }
0x68: {  	[tilespmem:s23], [sflag:$0x5] =	stream.indirect_vreg.gather [hbm4b:s3+s2], $0x80, v3, vm0, $0x2000b8;
	[tilespmem:$0x10100] =	vst v63  }
0x69: {  	_ =	swait.ge [sflag:s24], $0x8000  }
0x6a: {  	[sflag:s24] =	ssyncset.done $0x0  }
0x6b: {  	[sflag:s24] =	ssyncadd.s32 $0xFFFF8000  }
0x6c: {  	_ =	strace $0x9000004A  }
0x6d: {  	_ =	strace $0x8000004B  }
0x6e: {  	[hbm4b:s5+s2] =	stream.linear.scatter [tilespmem:s8], [sflag:$0x3], $0x8000, $0x200038;
	[tilespmem:$0x10100] =	vst v63  }
0x6f: {  	p0 =	sne.s32 s6, $0x1;
	_ =	strace $0x9000004B  }
.Ltmp0:
0x70: {  	_ =	strace $0x8000004C;
	(pc) =	sbr.rel @p0 .LBB2_1-.Ltmp0, $4  }
0x71: {  	_ =	swait.ge [sflag:s25], $0x8000  }
0x72: {  	[sflag:s25] =	ssyncset.done $0x0  }
0x73: {  	[sflag:s25] =	ssyncadd.s32 $0xFFFF8000  }
0x74: {  	s6 =	sadd.s32 $0xFFFFFFFF, s6;
	_ =	strace $0x9000004C  }
0x75: {  	_ =	sfence.sel $0x180000  }
0x76: {  	[bflag:$0x0] =	sbarrier.arrive $0xFFFF  }
0x77: {  	p0 =	sne.s32 s1, $0x0;
	_ =	strace $0x90000047  }
0x78: {  	s0 =	sadd.s32 @!p0 $0x100000, s0;
	[bflag:$0x2] =	sbarrier.arrive $0xFFFF  }
0x79: {  	[sflag:s0] =	ssyncadd.tile.s32 @!p0 $0x1;
	_ =	shalt  }
.Lfunc_end2:
_tile_overlayer_lowered:
.L_overlay_start_2:
0x7a: {  	(tag) =	ssettag $0x2  }
0x7b: {  	s0 =	rddreg [dreg:$0x0];
	s2 =	stileid.u32  }
0x7c: {  	s1 =	rddreg [dreg:$0x1];
	p0 =	sne.s32 s2, $0x0  }
0x7d: {  	s3 =	rddreg [dreg:$0x2];
	[bflag:$0x3] =	sbarrier.arrive $0xFFFF;
	s2 =	simm.s32 @!p0 $0x1C01  }
0x7e: {  	[timem:s3], [sflag:s2] =	dma.local @!p0 [hbm:s0], s1  }
0x7f: {  	s0 =	simm.s32 @!p0 $0x1  }
0x80: {  	_ =	swait.ge @!p0 [sflag:s0], s1  }
0x81: {  	s1 =	ssub.s32 @!p0 $0x0, s1;
	[sflag:s0] =	ssyncset.done @!p0 $0x0  }
0x82: {  	[sflag:s0] =	ssyncadd.s32 @!p0 s1  }
0x83: {  	[bflag:$0x3] =	sbarrier.arrive $0xFFFF  }
0x84: {  	_ =	shalt  }

</sc_bundles>
